<compile_context>
chip_gen: v7x
topology: tpu7x:2x2x1
jax: 0.10.2.dev20260603
libtpu: 0.0.44.dev20260713+nightly
codegen_flags: <defaults>
</compile_context>

<pallas_src>
import functools

import numpy as np
import jax
import jax.numpy as jnp
from jax import lax
from jax.experimental import pallas as pl
from jax.experimental.pallas import tpu as pltpu
from jax.experimental.pallas import tpu_sc as plsc

_B, _L, _NV, _DM = 8, 512, 7, 768
_PLEN, _ST, _E = 16, 8, 8
_HID, _PRED, _NP = 1536, 96, 64
_BV = _B * _NV
_T = _BV * _NP
_BLK = 512
_NBLK = _T // _BLK
_TILE = 256
_GCAP = 9216
_NTILE = _GCAP // _TILE
_NW = 32
_CHUNK = _T // _NW
_HG = 8


def _posemb_np():
    position = np.arange(_NP, dtype=np.float32)[:, None]
    div = np.exp(np.arange(0, _DM, 2, dtype=np.float32) * -(np.log(10000.0) / _DM))
    pe = np.zeros((_NP, _DM), np.float32)
    pe[:, 0::2] = np.sin(position * div)
    pe[:, 1::2] = np.cos(position * div)
    return pe


_POS_NMAJOR = np.repeat(_posemb_np(), _BV, axis=0)


def _prologue_body(patches_ref, wp_ref, pos_ref, wg_ref, tril_ref,
                   emb_ref, i0_ref, i1_ref, v0_ref, v1_ref, r0_ref, r1_ref,
                   cnt_ref, sp_ref, sl_ref, acc):
    i = pl.program_id(0)

    @pl.when(i == 0)
    def _():
        acc[...] = jnp.zeros((8, 128), jnp.float32)

    p = patches_ref[...]
    emb = jnp.dot(p, wp_ref[...], preferred_element_type=jnp.float32) + pos_ref[...]
    emb_ref[...] = emb
    logits = jnp.dot(emb, wg_ref[...], preferred_element_type=jnp.float32)
    m = jnp.max(logits, axis=1, keepdims=True)
    ex = jnp.exp(logits - m)
    s = jnp.sum(ex, axis=1, keepdims=True)
    probs = ex / s
    lse = jnp.log(s) + m
    iota8 = lax.broadcasted_iota(jnp.int32, (_BLK, _E), 1)
    v0 = jnp.max(probs, axis=1, keepdims=True)
    i0 = jnp.min(jnp.where(probs == v0, iota8, _E), axis=1, keepdims=True)
    m0 = iota8 == i0
    pm = jnp.where(m0, -jnp.inf, probs)
    v1 = jnp.max(pm, axis=1, keepdims=True)
    i1 = jnp.min(jnp.where(pm == v1, iota8, _E), axis=1, keepdims=True)
    m1 = iota8 == i1
    d = m0.astype(jnp.float32) + m1.astype(jnp.float32)
    incl = jnp.dot(tril_ref[...], d, precision=lax.Precision.HIGHEST,
                   preferred_element_type=jnp.float32)
    cnt = acc[0:1, 0:_E]
    excl = incl - d + cnt
    r0 = jnp.sum(excl * m0.astype(jnp.float32), axis=1, keepdims=True)
    r1 = jnp.sum(excl * m1.astype(jnp.float32), axis=1, keepdims=True)
    i0_ref[...] = i0
    i1_ref[...] = i1
    v0_ref[...] = v0
    v1_ref[...] = v1
    r0_ref[...] = r0.astype(jnp.int32)
    r1_ref[...] = r1.astype(jnp.int32)
    ncnt = cnt + jnp.sum(d, axis=0, keepdims=True)
    nsp = acc[1:2, 0:_E] + jnp.sum(probs, axis=0, keepdims=True)
    nsl = acc[2:3, 0:1] + jnp.sum(lse * lse)
    acc[0:1, 0:_E] = ncnt
    acc[1:2, 0:_E] = nsp
    acc[2:3, 0:1] = nsl
    cnt_ref[...] = ncnt
    sp_ref[...] = nsp
    sl_ref[...] = nsl


def _prologue(patches, wp, posrep, wg, tril):
    return pl.pallas_call(
        _prologue_body,
        grid=(_NBLK,),
        in_specs=[
            pl.BlockSpec((_BLK, _PLEN), lambda i: (i, 0)),
            pl.BlockSpec((_PLEN, _DM), lambda i: (0, 0)),
            pl.BlockSpec((_BLK, _DM), lambda i: (i, 0)),
            pl.BlockSpec((_DM, _E), lambda i: (0, 0)),
            pl.BlockSpec((_BLK, _BLK), lambda i: (0, 0)),
        ],
        out_specs=[
            pl.BlockSpec((_BLK, _DM), lambda i: (i, 0)),
            pl.BlockSpec((_BLK, 1), lambda i: (i, 0)),
            pl.BlockSpec((_BLK, 1), lambda i: (i, 0)),
            pl.BlockSpec((_BLK, 1), lambda i: (i, 0)),
            pl.BlockSpec((_BLK, 1), lambda i: (i, 0)),
            pl.BlockSpec((_BLK, 1), lambda i: (i, 0)),
            pl.BlockSpec((_BLK, 1), lambda i: (i, 0)),
            pl.BlockSpec((1, _E), lambda i: (0, 0)),
            pl.BlockSpec((1, _E), lambda i: (0, 0)),
            pl.BlockSpec((1, 1), lambda i: (0, 0)),
        ],
        out_shape=[
            jax.ShapeDtypeStruct((_T, _DM), jnp.float32),
            jax.ShapeDtypeStruct((_T, 1), jnp.int32),
            jax.ShapeDtypeStruct((_T, 1), jnp.int32),
            jax.ShapeDtypeStruct((_T, 1), jnp.float32),
            jax.ShapeDtypeStruct((_T, 1), jnp.float32),
            jax.ShapeDtypeStruct((_T, 1), jnp.int32),
            jax.ShapeDtypeStruct((_T, 1), jnp.int32),
            jax.ShapeDtypeStruct((1, _E), jnp.float32),
            jax.ShapeDtypeStruct((1, _E), jnp.float32),
            jax.ShapeDtypeStruct((1, 1), jnp.float32),
        ],
        scratch_shapes=[pltpu.VMEM((8, 128), jnp.float32)],
    )(patches, wp, posrep, wg, tril)


def _finish_body(cnt_ref, sp_ref, sl_ref, i0_ref, i1_ref, r0_ref, r1_ref,
                 v0_ref, v1_ref,
                 up_ref, d0_ref, d1_ref, te_ref, aux_ref, ga_ref, gb_ref):
    cnt = cnt_ref[...]
    cap = jnp.floor((cnt + float(_TILE - 1)) * (1.0 / _TILE)) * float(_TILE)
    po = jnp.dot(cap, up_ref[...], precision=lax.Precision.HIGHEST,
                 preferred_element_type=jnp.float32)
    iota8 = lax.broadcasted_iota(jnp.int32, (_T, _E), 1)
    one0 = (iota8 == i0_ref[...]).astype(jnp.float32)
    one1 = (iota8 == i1_ref[...]).astype(jnp.float32)
    d0 = jnp.sum(one0 * po, axis=1, keepdims=True).astype(jnp.int32) + r0_ref[...]
    d1 = jnp.sum(one1 * po, axis=1, keepdims=True).astype(jnp.int32) + r1_ref[...]
    d0_ref[...] = d0
    d1_ref[...] = d1
    ts = lax.broadcasted_iota(jnp.int32, (_NTILE, _E), 0).astype(jnp.float32) * float(_TILE)
    ge = (ts >= po).astype(jnp.int32)
    te_ref[...] = jnp.sum(ge, axis=1, keepdims=True) - 1
    balance = float(_E) * jnp.sum(cnt * sp_ref[...]) * (1.0 / (_T * _T))
    aux_ref[...] = 0.01 * balance + 0.001 * (sl_ref[...] * (1.0 / _T))
    ga_ref[...] = jnp.broadcast_to(v0_ref[...], (_T, 128))
    gb_ref[...] = jnp.broadcast_to(v1_ref[...], (_T, 128))


def _finish(cnt, sp, sl, i0, i1, r0, r1, v0, v1):
    up = jnp.asarray(np.triu(np.ones((_E, _E), np.float32), 1))
    return pl.pallas_call(
        _finish_body,
        out_shape=[
            jax.ShapeDtypeStruct((_T, 1), jnp.int32),
            jax.ShapeDtypeStruct((_T, 1), jnp.int32),
            jax.ShapeDtypeStruct((_NTILE, 1), jnp.int32),
            jax.ShapeDtypeStruct((1, 1), jnp.float32),
            jax.ShapeDtypeStruct((_T, 128), jnp.float32),
            jax.ShapeDtypeStruct((_T, 128), jnp.float32),
        ],
    )(cnt, sp, sl, i0, i1, r0, r1, v0, v1, up)


def _cast_body(w1_ref, w2_ref, o1_ref, o2_ref):
    o1_ref[...] = w1_ref[...].astype(jnp.bfloat16)
    o2_ref[...] = w2_ref[...].astype(jnp.bfloat16)


def _cast_weights(w1, w2):
    return pl.pallas_call(
        _cast_body,
        grid=(_E,),
        in_specs=[pl.BlockSpec((None, _DM, _HID), lambda i: (i, 0, 0)),
                  pl.BlockSpec((None, _HID, _DM), lambda i: (i, 0, 0))],
        out_specs=[pl.BlockSpec((None, _DM, _HID), lambda i: (i, 0, 0)),
                   pl.BlockSpec((None, _HID, _DM), lambda i: (i, 0, 0))],
        out_shape=[jax.ShapeDtypeStruct((_E, _DM, _HID), jnp.bfloat16),
                   jax.ShapeDtypeStruct((_E, _HID, _DM), jnp.bfloat16)],
    )(w1, w2)


def _sc_dispatch(emb, ga, gb, dest_a, dest_b):
    mesh = plsc.VectorSubcoreMesh(core_axis_name="c", subcore_axis_name="s")

    @functools.partial(
        pl.kernel,
        out_type=[jax.ShapeDtypeStruct((_GCAP, _DM), jnp.float32),
                  jax.ShapeDtypeStruct((_GCAP, 128), jnp.float32)],
        mesh=mesh,
        scratch_types=[
            pltpu.VMEM((_CHUNK, _DM), jnp.float32),
            pltpu.VMEM((_CHUNK, 128), jnp.float32),
            pltpu.VMEM((_CHUNK, 128), jnp.float32),
            pltpu.VMEM((_CHUNK,), jnp.int32),
            pltpu.VMEM((_CHUNK,), jnp.int32),
            pltpu.SemaphoreType.DMA,
        ],
    )
    def k(emb_hbm, ga_hbm, gb_hbm, da_hbm, db_hbm, xg_hbm, xgate_hbm,
          emb_v, ga_v, gb_v, ia_v, ib_v, sem):
        wid = lax.axis_index("s") * 2 + lax.axis_index("c")
        base = wid * _CHUNK
        pltpu.sync_copy(emb_hbm.at[pl.ds(base, _CHUNK)], emb_v)
        pltpu.sync_copy(ga_hbm.at[pl.ds(base, _CHUNK)], ga_v)
        pltpu.sync_copy(gb_hbm.at[pl.ds(base, _CHUNK)], gb_v)
        pltpu.sync_copy(da_hbm.at[wid], ia_v)
        pltpu.sync_copy(db_hbm.at[wid], ib_v)
        c1 = pltpu.async_copy(emb_v, xg_hbm.at[ia_v], sem)
        c2 = pltpu.async_copy(emb_v, xg_hbm.at[ib_v], sem)
        c3 = pltpu.async_copy(ga_v, xgate_hbm.at[ia_v], sem)
        c4 = pltpu.async_copy(gb_v, xgate_hbm.at[ib_v], sem)
        c1.wait()
        c2.wait()
        c3.wait()
        c4.wait()

    return k(emb, ga, gb, dest_a, dest_b)


def _ffn_body(te_ref, x_ref, g_ref, w1_ref, b1_ref, w2_ref, b2_ref, y_ref):
    x = x_ref[...].astype(jnp.bfloat16)
    h = jnp.dot(x, w1_ref[...], preferred_element_type=jnp.float32) + b1_ref[...]
    h = h * 0.5 * (1.0 + lax.erf(h * np.float32(1.0 / np.sqrt(2.0))))
    h = h.astype(jnp.bfloat16)
    y = jnp.dot(h, w2_ref[...], preferred_element_type=jnp.float32) + b2_ref[...]
    y_ref[...] = y * g_ref[:, 0:1]


def _ffn(tile_expert, xg, xgate, w1, b1, w2, b2):
    grid_spec = pltpu.PrefetchScalarGridSpec(
        num_scalar_prefetch=1,
        grid=(_NTILE,),
        in_specs=[
            pl.BlockSpec((_TILE, _DM), lambda i, te: (i, 0)),
            pl.BlockSpec((_TILE, 128), lambda i, te: (i, 0)),
            pl.BlockSpec((None, _DM, _HID), lambda i, te: (te[i], 0, 0)),
            pl.BlockSpec((None, 1, _HID), lambda i, te: (te[i], 0, 0)),
            pl.BlockSpec((None, _HID, _DM), lambda i, te: (te[i], 0, 0)),
            pl.BlockSpec((None, 1, _DM), lambda i, te: (te[i], 0, 0)),
        ],
        out_specs=pl.BlockSpec((_TILE, _DM), lambda i, te: (i, 0)),
    )
    w1b, w2b = _cast_weights(w1, w2)
    return pl.pallas_call(
        _ffn_body,
        grid_spec=grid_spec,
        out_shape=jax.ShapeDtypeStruct((_GCAP, _DM), jnp.float32),
    )(tile_expert, xg, xgate,
      w1b, b1.reshape(_E, 1, _HID),
      w2b, b2.reshape(_E, 1, _DM))


def _sc_combine(y, da_p, db_p):
    mesh = plsc.VectorSubcoreMesh(core_axis_name="c", subcore_axis_name="s")

    @functools.partial(
        pl.kernel,
        compiler_params=pltpu.CompilerParams(use_tc_tiling_on_sc=True),
        out_type=[jax.ShapeDtypeStruct((_T, _DM), jnp.float32),
                  jax.ShapeDtypeStruct((_T, _DM), jnp.float32)],
        mesh=mesh,
        scratch_types=[
            pltpu.VMEM((_CHUNK, _DM), jnp.float32),
            pltpu.VMEM((_CHUNK,), jnp.int32),
            pltpu.VMEM((_CHUNK,), jnp.int32),
            pltpu.SemaphoreType.DMA,
        ],
    )
    def k(y_hbm, da_hbm, db_hbm, ya_hbm, yb_hbm, buf_v, ia_v, ib_v, sem):
        wid = lax.axis_index("s") * 2 + lax.axis_index("c")
        base = wid * _CHUNK
        pltpu.sync_copy(da_hbm.at[wid], ia_v)
        pltpu.sync_copy(db_hbm.at[wid], ib_v)
        pltpu.async_copy(y_hbm.at[ia_v], buf_v, sem).wait()
        pltpu.sync_copy(buf_v, ya_hbm.at[pl.ds(base, _CHUNK)])
        pltpu.async_copy(y_hbm.at[ib_v], buf_v, sem).wait()
        pltpu.sync_copy(buf_v, yb_hbm.at[pl.ds(base, _CHUNK)])

    return k(y, da_p, db_p)


def _head_body(ya_ref, yb_ref, wh_ref, bh_ref, out_ref):
    i = pl.program_id(0)

    @pl.when(i == 0)
    def _():
        out_ref[...] = jnp.broadcast_to(bh_ref[...], (_BV, _PRED))

    s = ya_ref[...] + yb_ref[...]
    acc = out_ref[...]
    for k in range(_HG):
        acc = acc + jnp.dot(s[k * _BV:(k + 1) * _BV, :], wh_ref[k],
                            preferred_element_type=jnp.float32)
    out_ref[...] = acc


def _head(yan, ybn, wh2n, bh2):
    return pl.pallas_call(
        _head_body,
        grid=(_NP // _HG,),
        in_specs=[
            pl.BlockSpec((_HG * _BV, _DM), lambda i: (i, 0)),
            pl.BlockSpec((_HG * _BV, _DM), lambda i: (i, 0)),
            pl.BlockSpec((_HG, _DM, _PRED), lambda i: (i, 0, 0)),
            pl.BlockSpec((1, _PRED), lambda i: (0, 0)),
        ],
        out_specs=pl.BlockSpec((_BV, _PRED), lambda i: (0, 0)),
        out_shape=jax.ShapeDtypeStruct((_BV, _PRED), jnp.float32),
    )(yan, ybn, wh2n, bh2)


def kernel(x_enc, x_mark_enc, x_dec, x_mark_dec, W_patch, Wg, W1, b1, W2, b2, Wh, bh):
    means = jnp.mean(x_enc, axis=1, keepdims=True)
    xe = x_enc - means
    stdev = jnp.sqrt(jnp.var(xe, axis=1, keepdims=True) + 1e-5)
    xe = xe / stdev
    x = jnp.transpose(xe, (0, 2, 1))
    xpad = jnp.concatenate([x, jnp.repeat(x[..., -1:], _ST, axis=-1)], axis=-1)
    xc = xpad.reshape(_BV, _L // _ST + 1, _ST)
    patches = jnp.concatenate([xc[:, :-1, :], xc[:, 1:, :]], axis=-1)
    patches = patches.transpose(1, 0, 2).reshape(_T, _PLEN)

    posrep = jnp.asarray(_POS_NMAJOR)
    tril = jnp.asarray(np.tril(np.ones((_BLK, _BLK), np.float32)))
    (emb, i0, i1, v0, v1, r0, r1, cnt, sp, sl) = _prologue(
        patches, W_patch, posrep, Wg, tril)

    dest0, dest1, te, aux, ga, gb = _finish(cnt, sp, sl, i0, i1, r0, r1, v0, v1)
    tile_expert = te.reshape(_NTILE)

    xg, xgate = _sc_dispatch(emb, ga, gb,
                             dest0.reshape(_NW, _CHUNK),
                             dest1.reshape(_NW, _CHUNK))

    y = _ffn(tile_expert, xg, xgate, W1, b1, W2, b2)

    yan, ybn = _sc_combine(y,
                           dest0.reshape(_NW, _CHUNK),
                           dest1.reshape(_NW, _CHUNK))

    wh2n = Wh.reshape(_DM, _NP, _PRED).transpose(1, 0, 2)
    dec56 = _head(yan, ybn, wh2n, bh.reshape(1, _PRED))
    dec = dec56.reshape(_B, _NV, _PRED).transpose(0, 2, 1)
    dec = dec * stdev[:, 0, :][:, None, :] + means[:, 0, :][:, None, :]

    return dec, aux[0, 0]

# --- scband reference (transcript-rebuilt; emitter-appended) ---
"""Pipeline reference for scband-model-8297876815951 (READ-ONLY COPY).

The authoritative reference and input builder live on the scoring server;
editing this copy changes nothing except your own understanding.
"""

import jax, jax.numpy as jnp
import numpy as np

B = 8; L = 512; NV = 7; DM = 768; PL = 16; ST = 8; E = 8; K = 2; HID = 1536; PRED = 96; NPATCH = 64

def _pos_emb(n, d):
    position = np.arange(n, dtype=np.float32)[:, None]
    div = np.exp(np.arange(0, d, 2, dtype=np.float32) * -(np.log(10000.0) / d))
    pe = np.zeros((n, d), dtype=np.float32)
    pe[:, 0::2] = np.sin(position * div)
    pe[:, 1::2] = np.cos(position * div)
    return jnp.asarray(pe)

def setup_inputs(seed: int = 0):
    key = jax.random.key(seed)
    ks = jax.random.split(key, 12)
    inp = {}
    inp['x_enc'] = jax.random.normal(ks[0], (B, L, NV), jnp.float32)
    inp['x_mark_enc'] = jax.random.normal(ks[1], (B, L, 4), jnp.float32)
    inp['x_dec'] = jax.random.normal(ks[2], (B, 144, NV), jnp.float32)
    inp['x_mark_dec'] = jax.random.normal(ks[3], (B, 144, 4), jnp.float32)
    inp['W_patch'] = jax.random.normal(ks[4], (PL, DM), jnp.float32) * 0.02
    inp['Wg'] = jax.random.normal(ks[5], (DM, E), jnp.float32) * 0.02
    inp['W1'] = jax.random.normal(ks[6], (E, DM, HID), jnp.float32) * (1.0 / np.sqrt(DM))
    inp['b1'] = jnp.zeros((E, HID), jnp.float32)
    inp['W2'] = jax.random.normal(ks[7], (E, HID, DM), jnp.float32) * (1.0 / np.sqrt(HID))
    inp['b2'] = jnp.zeros((E, DM), jnp.float32)
    inp['Wh'] = jax.random.normal(ks[8], (DM * NPATCH, PRED), jnp.float32) * 0.02
    inp['bh'] = jnp.zeros((PRED,), jnp.float32)
    return inp

def _forward(x_enc, W_patch, Wg, W1, b1, W2, b2, Wh, bh):
    # use_norm: instance normalization over time dim
    means = jnp.mean(x_enc, axis=1, keepdims=True)
    xe = x_enc - means
    stdev = jnp.sqrt(jnp.var(xe, axis=1, keepdims=True) + 1e-5)
    xe = xe / stdev
    # [B, NV, L]
    x = jnp.transpose(xe, (0, 2, 1))
    # PatchEmbedding: ReplicationPad1d((0, stride)) then unfold(patch_len, stride) then Linear(PL->DM) + pos emb
    xpad = jnp.concatenate([x, jnp.repeat(x[..., -1:], ST, axis=-1)], axis=-1)
    idx = jnp.arange(NPATCH)[:, None] * ST + jnp.arange(PL)[None, :]
    patches = xpad[..., idx].reshape(B * NV, NPATCH, PL)
    emb = patches @ W_patch + _pos_emb(NPATCH, DM)[None]
    # MoE: top-k softmax routing with st-moe style aux losses (dense-gated reference)
    tokens = emb.reshape(-1, DM)
    T = tokens.shape[0]
    logits = tokens @ Wg
    probs = jax.nn.softmax(logits, axis=-1)
    topv, topi = jax.lax.top_k(probs, K)
    gates = jnp.zeros((T, E), jnp.float32).at[jnp.arange(T)[:, None], topi].set(topv)
    out = jnp.zeros((T, DM), jnp.float32)
    for e in range(E):
        h = jax.nn.gelu(tokens @ W1[e] + b1[e], approximate=False)
        out = out + gates[:, e:e + 1] * (h @ W2[e] + b2[e])
    dispatch = jnp.sum(jax.nn.one_hot(topi, E, dtype=jnp.float32), axis=1)
    f = jnp.mean(dispatch, axis=0)
    p = jnp.mean(probs, axis=0)
    balance_loss = E * jnp.sum(f * p)
    router_z_loss = jnp.mean(jax.nn.logsumexp(logits, axis=-1) ** 2)
    total_aux = 0.01 * balance_loss + 0.001 * router_z_loss
    # reshape + FlattenHead
    enc = out.reshape(B, NV, NPATCH, DM).transpose(0, 1, 3, 2)
    flat = enc.reshape(B, NV, DM * NPATCH)
    dec = flat @ Wh + bh
    dec = jnp.transpose(dec, (0, 2, 1))
    dec = dec * stdev[:, 0, :][:, None, :] + means[:, 0, :][:, None, :]
    return dec, total_aux

def reference(x_enc, x_mark_enc, x_dec, x_mark_dec, W_patch, Wg, W1, b1, W2, b2, Wh, bh):
    # x_mark_enc, x_dec, x_mark_dec are unused in the forecast path of this model
    return _forward(x_enc, W_patch, Wg, W1, b1, W2, b2, Wh, bh)

if __name__ == "__main__":
    import jax
    _d = setup_inputs()
    print(jax.jit(kernel)(*tuple(_d.values())))

</pallas_src>

<mosaic_0001>
#map = affine_map<(d0, d1) -> (0, 0)>
module attributes {stable_mosaic.version = 14 : i64} {
  func.func @k(%arg0: i32, %arg1: i32, %arg2: memref<9216x768xf32, #tpu.memory_space<hbm>>, %arg3: memref<32x112xi32, #tpu.memory_space<hbm>>, %arg4: memref<32x112xi32, #tpu.memory_space<hbm>>, %arg5: memref<3584x768xf32, #tpu.memory_space<hbm>>, %arg6: memref<3584x768xf32, #tpu.memory_space<hbm>>, %arg7: memref<112x768xf32, #tpu.memory_space<vmem>>, %arg8: memref<112xi32, #tpu.memory_space<vmem>>, %arg9: memref<112xi32, #tpu.memory_space<vmem>>, %arg10: memref<!tpu.dma_semaphore, #tpu.memory_space<semaphore_mem>>) attributes {dimension_semantics = [#tpu.dimension_semantics<core_parallel>, #tpu.dimension_semantics<subcore_parallel>], iteration_bounds = array<i64: 2, 16>, scalar_prefetch = 0 : i64, scratch_operands = 4 : i64, tpu.core_type = #tpu.core_type<sc_vector_subcore>, window_params = [{transform_indices = #map}, {transform_indices = #map}, {transform_indices = #map}, {transform_indices = #map}, {transform_indices = #map}]} {
    %mul3A = arith.constant 2 : i32
    %mul3A_0 = arith.muli %arg1, %mul3A : i32
    %add3A = arith.addi %mul3A_0, %arg0 : i32
    %mul3A_1 = arith.constant 112 : i32
    %mul3A_2 = arith.muli %add3A, %mul3A_1 : i32
    "tpu.region"() ({
      %run_scoped3A = tpu.sem_alloc : memref<!tpu.dma_semaphore, #tpu.memory_space<semaphore_mem>>
      %dma_start3A_13 = arith.constant 0 : i32
      %dma_start3A_14 = tpu.memref_slice %arg3[%add3A, %dma_start3A_13] : memref<32x112xi32, #tpu.memory_space<hbm>> -> memref<1x112xi32, #tpu.memory_space<hbm>>
      %dma_start3A_15 = tpu.memref_squeeze %dma_start3A_14 : memref<1x112xi32, #tpu.memory_space<hbm>> -> memref<112xi32, #tpu.memory_space<hbm>>
      %dma_start3A_16 = arith.constant 0 : i32
      %dma_start3A_17 = tpu.memref_slice %arg3[%add3A, %dma_start3A_16] : memref<32x112xi32, #tpu.memory_space<hbm>> -> memref<1x112xi32, #tpu.memory_space<hbm>>
      %dma_start3A_18 = tpu.memref_squeeze %dma_start3A_17 : memref<1x112xi32, #tpu.memory_space<hbm>> -> memref<112xi32, #tpu.memory_space<hbm>>
      tpu.enqueue_dma source(%dma_start3A_18 : memref<112xi32, #tpu.memory_space<hbm>>) target(%arg8 : memref<112xi32, #tpu.memory_space<vmem>>) target_semaphore(%run_scoped3A : memref<!tpu.dma_semaphore, #tpu.memory_space<semaphore_mem>>)
      %dma_wait3A_19 = arith.constant 0 : i32
      %dma_wait3A_20 = tpu.memref_slice %arg3[%add3A, %dma_wait3A_19] : memref<32x112xi32, #tpu.memory_space<hbm>> -> memref<1x112xi32, #tpu.memory_space<hbm>>
      %dma_wait3A_21 = tpu.memref_squeeze %dma_wait3A_20 : memref<1x112xi32, #tpu.memory_space<hbm>> -> memref<112xi32, #tpu.memory_space<hbm>>
      %dma_wait3A_22 = arith.constant 0 : i32
      %dma_wait3A_23 = tpu.memref_slice %arg3[%add3A, %dma_wait3A_22] : memref<32x112xi32, #tpu.memory_space<hbm>> -> memref<1x112xi32, #tpu.memory_space<hbm>>
      %dma_wait3A_24 = tpu.memref_squeeze %dma_wait3A_23 : memref<1x112xi32, #tpu.memory_space<hbm>> -> memref<112xi32, #tpu.memory_space<hbm>>
      tpu.wait_dma2 semaphore(%run_scoped3A : memref<!tpu.dma_semaphore, #tpu.memory_space<semaphore_mem>>) src(%dma_wait3A_24 : memref<112xi32, #tpu.memory_space<hbm>>) dst(%arg8 : memref<112xi32, #tpu.memory_space<vmem>>)
      tpu.yield
    }) : () -> ()
    "tpu.region"() ({
      %run_scoped3A = tpu.sem_alloc : memref<!tpu.dma_semaphore, #tpu.memory_space<semaphore_mem>>
      %dma_start3A_13 = arith.constant 0 : i32
      %dma_start3A_14 = tpu.memref_slice %arg4[%add3A, %dma_start3A_13] : memref<32x112xi32, #tpu.memory_space<hbm>> -> memref<1x112xi32, #tpu.memory_space<hbm>>
      %dma_start3A_15 = tpu.memref_squeeze %dma_start3A_14 : memref<1x112xi32, #tpu.memory_space<hbm>> -> memref<112xi32, #tpu.memory_space<hbm>>
      %dma_start3A_16 = arith.constant 0 : i32
      %dma_start3A_17 = tpu.memref_slice %arg4[%add3A, %dma_start3A_16] : memref<32x112xi32, #tpu.memory_space<hbm>> -> memref<1x112xi32, #tpu.memory_space<hbm>>
      %dma_start3A_18 = tpu.memref_squeeze %dma_start3A_17 : memref<1x112xi32, #tpu.memory_space<hbm>> -> memref<112xi32, #tpu.memory_space<hbm>>
      tpu.enqueue_dma source(%dma_start3A_18 : memref<112xi32, #tpu.memory_space<hbm>>) target(%arg9 : memref<112xi32, #tpu.memory_space<vmem>>) target_semaphore(%run_scoped3A : memref<!tpu.dma_semaphore, #tpu.memory_space<semaphore_mem>>)
      %dma_wait3A_19 = arith.constant 0 : i32
      %dma_wait3A_20 = tpu.memref_slice %arg4[%add3A, %dma_wait3A_19] : memref<32x112xi32, #tpu.memory_space<hbm>> -> memref<1x112xi32, #tpu.memory_space<hbm>>
      %dma_wait3A_21 = tpu.memref_squeeze %dma_wait3A_20 : memref<1x112xi32, #tpu.memory_space<hbm>> -> memref<112xi32, #tpu.memory_space<hbm>>
      %dma_wait3A_22 = arith.constant 0 : i32
      %dma_wait3A_23 = tpu.memref_slice %arg4[%add3A, %dma_wait3A_22] : memref<32x112xi32, #tpu.memory_space<hbm>> -> memref<1x112xi32, #tpu.memory_space<hbm>>
      %dma_wait3A_24 = tpu.memref_squeeze %dma_wait3A_23 : memref<1x112xi32, #tpu.memory_space<hbm>> -> memref<112xi32, #tpu.memory_space<hbm>>
      tpu.wait_dma2 semaphore(%run_scoped3A : memref<!tpu.dma_semaphore, #tpu.memory_space<semaphore_mem>>) src(%dma_wait3A_24 : memref<112xi32, #tpu.memory_space<hbm>>) dst(%arg9 : memref<112xi32, #tpu.memory_space<vmem>>)
      tpu.yield
    }) : () -> ()
    %dma_start3A = arith.constant 0 : i32
    %dma_start3A_3 = arith.constant 0 : i32
    %dma_start3A_4 = tpu.memref_slice %arg2[%dma_start3A, %dma_start3A_3] : memref<9216x768xf32, #tpu.memory_space<hbm>> -> memref<9216x768xf32, #tpu.memory_space<hbm>>
    tpu.enqueue_indirect_dma source(%dma_start3A_4 : memref<9216x768xf32, #tpu.memory_space<hbm>>) target(%arg7 : memref<112x768xf32, #tpu.memory_space<vmem>>) offsets(%arg8 : memref<112xi32, #tpu.memory_space<vmem>>) semaphore(%arg10 : memref<!tpu.dma_semaphore, #tpu.memory_space<semaphore_mem>>)
    %dma_wait3A = arith.constant 0 : i32
    %dma_wait3A_5 = arith.constant 0 : i32
    %dma_wait3A_6 = tpu.memref_slice %arg2[%dma_wait3A, %dma_wait3A_5] : memref<9216x768xf32, #tpu.memory_space<hbm>> -> memref<9216x768xf32, #tpu.memory_space<hbm>>
    tpu.wait_indirect_dma semaphore(%arg10 : memref<!tpu.dma_semaphore, #tpu.memory_space<semaphore_mem>>) src(%dma_wait3A_6 : memref<9216x768xf32, #tpu.memory_space<hbm>>) dst(%arg7 : memref<112x768xf32, #tpu.memory_space<vmem>>)
    "tpu.region"() ({
      %run_scoped3A = tpu.sem_alloc : memref<!tpu.dma_semaphore, #tpu.memory_space<semaphore_mem>>
      %dma_start3A_13 = arith.constant 0 : i32
      %dma_start3A_14 = tpu.memref_slice %arg5[%mul3A_2, %dma_start3A_13] : memref<3584x768xf32, #tpu.memory_space<hbm>> -> memref<112x768xf32, #tpu.memory_space<hbm>>
      %dma_start3A_15 = arith.constant 0 : i32
      %dma_start3A_16 = tpu.memref_slice %arg5[%mul3A_2, %dma_start3A_15] : memref<3584x768xf32, #tpu.memory_space<hbm>> -> memref<112x768xf32, #tpu.memory_space<hbm>>
      tpu.enqueue_dma source(%arg7 : memref<112x768xf32, #tpu.memory_space<vmem>>) target(%dma_start3A_16 : memref<112x768xf32, #tpu.memory_space<hbm>>) target_semaphore(%run_scoped3A : memref<!tpu.dma_semaphore, #tpu.memory_space<semaphore_mem>>)
      %dma_wait3A_17 = arith.constant 0 : i32
      %dma_wait3A_18 = tpu.memref_slice %arg5[%mul3A_2, %dma_wait3A_17] : memref<3584x768xf32, #tpu.memory_space<hbm>> -> memref<112x768xf32, #tpu.memory_space<hbm>>
      %dma_wait3A_19 = arith.constant 0 : i32
      %dma_wait3A_20 = tpu.memref_slice %arg5[%mul3A_2, %dma_wait3A_19] : memref<3584x768xf32, #tpu.memory_space<hbm>> -> memref<112x768xf32, #tpu.memory_space<hbm>>
      tpu.wait_dma2 semaphore(%run_scoped3A : memref<!tpu.dma_semaphore, #tpu.memory_space<semaphore_mem>>) src(%arg7 : memref<112x768xf32, #tpu.memory_space<vmem>>) dst(%dma_wait3A_20 : memref<112x768xf32, #tpu.memory_space<hbm>>)
      tpu.yield
    }) : () -> ()
    %dma_start3A_7 = arith.constant 0 : i32
    %dma_start3A_8 = arith.constant 0 : i32
    %dma_start3A_9 = tpu.memref_slice %arg2[%dma_start3A_7, %dma_start3A_8] : memref<9216x768xf32, #tpu.memory_space<hbm>> -> memref<9216x768xf32, #tpu.memory_space<hbm>>
    tpu.enqueue_indirect_dma source(%dma_start3A_9 : memref<9216x768xf32, #tpu.memory_space<hbm>>) target(%arg7 : memref<112x768xf32, #tpu.memory_space<vmem>>) offsets(%arg9 : memref<112xi32, #tpu.memory_space<vmem>>) semaphore(%arg10 : memref<!tpu.dma_semaphore, #tpu.memory_space<semaphore_mem>>)
    %dma_wait3A_10 = arith.constant 0 : i32
    %dma_wait3A_11 = arith.constant 0 : i32
    %dma_wait3A_12 = tpu.memref_slice %arg2[%dma_wait3A_10, %dma_wait3A_11] : memref<9216x768xf32, #tpu.memory_space<hbm>> -> memref<9216x768xf32, #tpu.memory_space<hbm>>
    tpu.wait_indirect_dma semaphore(%arg10 : memref<!tpu.dma_semaphore, #tpu.memory_space<semaphore_mem>>) src(%dma_wait3A_12 : memref<9216x768xf32, #tpu.memory_space<hbm>>) dst(%arg7 : memref<112x768xf32, #tpu.memory_space<vmem>>)
    "tpu.region"() ({
      %run_scoped3A = tpu.sem_alloc : memref<!tpu.dma_semaphore, #tpu.memory_space<semaphore_mem>>
      %dma_start3A_13 = arith.constant 0 : i32
      %dma_start3A_14 = tpu.memref_slice %arg6[%mul3A_2, %dma_start3A_13] : memref<3584x768xf32, #tpu.memory_space<hbm>> -> memref<112x768xf32, #tpu.memory_space<hbm>>
      %dma_start3A_15 = arith.constant 0 : i32
      %dma_start3A_16 = tpu.memref_slice %arg6[%mul3A_2, %dma_start3A_15] : memref<3584x768xf32, #tpu.memory_space<hbm>> -> memref<112x768xf32, #tpu.memory_space<hbm>>
      tpu.enqueue_dma source(%arg7 : memref<112x768xf32, #tpu.memory_space<vmem>>) target(%dma_start3A_16 : memref<112x768xf32, #tpu.memory_space<hbm>>) target_semaphore(%run_scoped3A : memref<!tpu.dma_semaphore, #tpu.memory_space<semaphore_mem>>)
      %dma_wait3A_17 = arith.constant 0 : i32
      %dma_wait3A_18 = tpu.memref_slice %arg6[%mul3A_2, %dma_wait3A_17] : memref<3584x768xf32, #tpu.memory_space<hbm>> -> memref<112x768xf32, #tpu.memory_space<hbm>>
      %dma_wait3A_19 = arith.constant 0 : i32
      %dma_wait3A_20 = tpu.memref_slice %arg6[%mul3A_2, %dma_wait3A_19] : memref<3584x768xf32, #tpu.memory_space<hbm>> -> memref<112x768xf32, #tpu.memory_space<hbm>>
      tpu.wait_dma2 semaphore(%run_scoped3A : memref<!tpu.dma_semaphore, #tpu.memory_space<semaphore_mem>>) src(%arg7 : memref<112x768xf32, #tpu.memory_space<vmem>>) dst(%dma_wait3A_20 : memref<112x768xf32, #tpu.memory_space<hbm>>)
      tpu.yield
    }) : () -> ()
    return
  }
}

#map = affine_map<(d0, d1) -> (0, 0)>
module attributes {stable_mosaic.version = 14 : i64} {
  func.func @k(%arg0: i32, %arg1: i32, %arg2: memref<3584x768xf32, #tpu.memory_space<hbm>>, %arg3: memref<3584x128xf32, #tpu.memory_space<hbm>>, %arg4: memref<3584x128xf32, #tpu.memory_space<hbm>>, %arg5: memref<32x112xi32, #tpu.memory_space<hbm>>, %arg6: memref<32x112xi32, #tpu.memory_space<hbm>>, %arg7: memref<9216x768xf32, #tpu.memory_space<hbm>>, %arg8: memref<9216x128xf32, #tpu.memory_space<hbm>>, %arg9: memref<112x768xf32, #tpu.memory_space<vmem>>, %arg10: memref<112x128xf32, #tpu.memory_space<vmem>>, %arg11: memref<112x128xf32, #tpu.memory_space<vmem>>, %arg12: memref<112xi32, #tpu.memory_space<vmem>>, %arg13: memref<112xi32, #tpu.memory_space<vmem>>, %arg14: memref<!tpu.dma_semaphore, #tpu.memory_space<semaphore_mem>>) attributes {dimension_semantics = [#tpu.dimension_semantics<core_parallel>, #tpu.dimension_semantics<subcore_parallel>], iteration_bounds = array<i64: 2, 16>, scalar_prefetch = 0 : i64, scratch_operands = 6 : i64, tpu.core_type = #tpu.core_type<sc_vector_subcore>, window_params = [{transform_indices = #map}, {transform_indices = #map}, {transform_indices = #map}, {transform_indices = #map}, {transform_indices = #map}, {transform_indices = #map}, {transform_indices = #map}]} {
    %mul3A = arith.constant 2 : i32
    %mul3A_0 = arith.muli %arg1, %mul3A : i32
    %add3A = arith.addi %mul3A_0, %arg0 : i32
    %mul3A_1 = arith.constant 112 : i32
    %mul3A_2 = arith.muli %add3A, %mul3A_1 : i32
    "tpu.region"() ({
      %run_scoped3A = tpu.sem_alloc : memref<!tpu.dma_semaphore, #tpu.memory_space<semaphore_mem>>
      %dma_start3A_25 = arith.constant 0 : i32
      %dma_start3A_26 = tpu.memref_slice %arg2[%mul3A_2, %dma_start3A_25] : memref<3584x768xf32, #tpu.memory_space<hbm>> -> memref<112x768xf32, #tpu.memory_space<hbm>>
      %dma_start3A_27 = arith.constant 0 : i32
      %dma_start3A_28 = tpu.memref_slice %arg2[%mul3A_2, %dma_start3A_27] : memref<3584x768xf32, #tpu.memory_space<hbm>> -> memref<112x768xf32, #tpu.memory_space<hbm>>
      tpu.enqueue_dma source(%dma_start3A_28 : memref<112x768xf32, #tpu.memory_space<hbm>>) target(%arg9 : memref<112x768xf32, #tpu.memory_space<vmem>>) target_semaphore(%run_scoped3A : memref<!tpu.dma_semaphore, #tpu.memory_space<semaphore_mem>>)
      %dma_wait3A_29 = arith.constant 0 : i32
      %dma_wait3A_30 = tpu.memref_slice %arg2[%mul3A_2, %dma_wait3A_29] : memref<3584x768xf32, #tpu.memory_space<hbm>> -> memref<112x768xf32, #tpu.memory_space<hbm>>
      %dma_wait3A_31 = arith.constant 0 : i32
      %dma_wait3A_32 = tpu.memref_slice %arg2[%mul3A_2, %dma_wait3A_31] : memref<3584x768xf32, #tpu.memory_space<hbm>> -> memref<112x768xf32, #tpu.memory_space<hbm>>
      tpu.wait_dma2 semaphore(%run_scoped3A : memref<!tpu.dma_semaphore, #tpu.memory_space<semaphore_mem>>) src(%dma_wait3A_32 : memref<112x768xf32, #tpu.memory_space<hbm>>) dst(%arg9 : memref<112x768xf32, #tpu.memory_space<vmem>>)
      tpu.yield
    }) : () -> ()
    "tpu.region"() ({
      %run_scoped3A = tpu.sem_alloc : memref<!tpu.dma_semaphore, #tpu.memory_space<semaphore_mem>>
      %dma_start3A_25 = arith.constant 0 : i32
      %dma_start3A_26 = tpu.memref_slice %arg3[%mul3A_2, %dma_start3A_25] : memref<3584x128xf32, #tpu.memory_space<hbm>> -> memref<112x128xf32, #tpu.memory_space<hbm>>
      %dma_start3A_27 = arith.constant 0 : i32
      %dma_start3A_28 = tpu.memref_slice %arg3[%mul3A_2, %dma_start3A_27] : memref<3584x128xf32, #tpu.memory_space<hbm>> -> memref<112x128xf32, #tpu.memory_space<hbm>>
      tpu.enqueue_dma source(%dma_start3A_28 : memref<112x128xf32, #tpu.memory_space<hbm>>) target(%arg10 : memref<112x128xf32, #tpu.memory_space<vmem>>) target_semaphore(%run_scoped3A : memref<!tpu.dma_semaphore, #tpu.memory_space<semaphore_mem>>)
      %dma_wait3A_29 = arith.constant 0 : i32
      %dma_wait3A_30 = tpu.memref_slice %arg3[%mul3A_2, %dma_wait3A_29] : memref<3584x128xf32, #tpu.memory_space<hbm>> -> memref<112x128xf32, #tpu.memory_space<hbm>>
      %dma_wait3A_31 = arith.constant 0 : i32
      %dma_wait3A_32 = tpu.memref_slice %arg3[%mul3A_2, %dma_wait3A_31] : memref<3584x128xf32, #tpu.memory_space<hbm>> -> memref<112x128xf32, #tpu.memory_space<hbm>>
      tpu.wait_dma2 semaphore(%run_scoped3A : memref<!tpu.dma_semaphore, #tpu.memory_space<semaphore_mem>>) src(%dma_wait3A_32 : memref<112x128xf32, #tpu.memory_space<hbm>>) dst(%arg10 : memref<112x128xf32, #tpu.memory_space<vmem>>)
      tpu.yield
    }) : () -> ()
    "tpu.region"() ({
      %run_scoped3A = tpu.sem_alloc : memref<!tpu.dma_semaphore, #tpu.memory_space<semaphore_mem>>
      %dma_start3A_25 = arith.constant 0 : i32
      %dma_start3A_26 = tpu.memref_slice %arg4[%mul3A_2, %dma_start3A_25] : memref<3584x128xf32, #tpu.memory_space<hbm>> -> memref<112x128xf32, #tpu.memory_space<hbm>>
      %dma_start3A_27 = arith.constant 0 : i32
      %dma_start3A_28 = tpu.memref_slice %arg4[%mul3A_2, %dma_start3A_27] : memref<3584x128xf32, #tpu.memory_space<hbm>> -> memref<112x128xf32, #tpu.memory_space<hbm>>
      tpu.enqueue_dma source(%dma_start3A_28 : memref<112x128xf32, #tpu.memory_space<hbm>>) target(%arg11 : memref<112x128xf32, #tpu.memory_space<vmem>>) target_semaphore(%run_scoped3A : memref<!tpu.dma_semaphore, #tpu.memory_space<semaphore_mem>>)
      %dma_wait3A_29 = arith.constant 0 : i32
      %dma_wait3A_30 = tpu.memref_slice %arg4[%mul3A_2, %dma_wait3A_29] : memref<3584x128xf32, #tpu.memory_space<hbm>> -> memref<112x128xf32, #tpu.memory_space<hbm>>
      %dma_wait3A_31 = arith.constant 0 : i32
      %dma_wait3A_32 = tpu.memref_slice %arg4[%mul3A_2, %dma_wait3A_31] : memref<3584x128xf32, #tpu.memory_space<hbm>> -> memref<112x128xf32, #tpu.memory_space<hbm>>
      tpu.wait_dma2 semaphore(%run_scoped3A : memref<!tpu.dma_semaphore, #tpu.memory_space<semaphore_mem>>) src(%dma_wait3A_32 : memref<112x128xf32, #tpu.memory_space<hbm>>) dst(%arg11 : memref<112x128xf32, #tpu.memory_space<vmem>>)
      tpu.yield
    }) : () -> ()
    "tpu.region"() ({
      %run_scoped3A = tpu.sem_alloc : memref<!tpu.dma_semaphore, #tpu.memory_space<semaphore_mem>>
      %dma_start3A_25 = arith.constant 0 : i32
      %dma_start3A_26 = tpu.memref_slice %arg5[%add3A, %dma_start3A_25] : memref<32x112xi32, #tpu.memory_space<hbm>> -> memref<1x112xi32, #tpu.memory_space<hbm>>
      %dma_start3A_27 = tpu.memref_squeeze %dma_start3A_26 : memref<1x112xi32, #tpu.memory_space<hbm>> -> memref<112xi32, #tpu.memory_space<hbm>>
      %dma_start3A_28 = arith.constant 0 : i32
      %dma_start3A_29 = tpu.memref_slice %arg5[%add3A, %dma_start3A_28] : memref<32x112xi32, #tpu.memory_space<hbm>> -> memref<1x112xi32, #tpu.memory_space<hbm>>
      %dma_start3A_30 = tpu.memref_squeeze %dma_start3A_29 : memref<1x112xi32, #tpu.memory_space<hbm>> -> memref<112xi32, #tpu.memory_space<hbm>>
      tpu.enqueue_dma source(%dma_start3A_30 : memref<112xi32, #tpu.memory_space<hbm>>) target(%arg12 : memref<112xi32, #tpu.memory_space<vmem>>) target_semaphore(%run_scoped3A : memref<!tpu.dma_semaphore, #tpu.memory_space<semaphore_mem>>)
      %dma_wait3A_31 = arith.constant 0 : i32
      %dma_wait3A_32 = tpu.memref_slice %arg5[%add3A, %dma_wait3A_31] : memref<32x112xi32, #tpu.memory_space<hbm>> -> memref<1x112xi32, #tpu.memory_space<hbm>>
      %dma_wait3A_33 = tpu.memref_squeeze %dma_wait3A_32 : memref<1x112xi32, #tpu.memory_space<hbm>> -> memref<112xi32, #tpu.memory_space<hbm>>
      %dma_wait3A_34 = arith.constant 0 : i32
      %dma_wait3A_35 = tpu.memref_slice %arg5[%add3A, %dma_wait3A_34] : memref<32x112xi32, #tpu.memory_space<hbm>> -> memref<1x112xi32, #tpu.memory_space<hbm>>
      %dma_wait3A_36 = tpu.memref_squeeze %dma_wait3A_35 : memref<1x112xi32, #tpu.memory_space<hbm>> -> memref<112xi32, #tpu.memory_space<hbm>>
      tpu.wait_dma2 semaphore(%run_scoped3A : memref<!tpu.dma_semaphore, #tpu.memory_space<semaphore_mem>>) src(%dma_wait3A_36 : memref<112xi32, #tpu.memory_space<hbm>>) dst(%arg12 : memref<112xi32, #tpu.memory_space<vmem>>)
      tpu.yield
    }) : () -> ()
    "tpu.region"() ({
      %run_scoped3A = tpu.sem_alloc : memref<!tpu.dma_semaphore, #tpu.memory_space<semaphore_mem>>
      %dma_start3A_25 = arith.constant 0 : i32
      %dma_start3A_26 = tpu.memref_slice %arg6[%add3A, %dma_start3A_25] : memref<32x112xi32, #tpu.memory_space<hbm>> -> memref<1x112xi32, #tpu.memory_space<hbm>>
      %dma_start3A_27 = tpu.memref_squeeze %dma_start3A_26 : memref<1x112xi32, #tpu.memory_space<hbm>> -> memref<112xi32, #tpu.memory_space<hbm>>
      %dma_start3A_28 = arith.constant 0 : i32
      %dma_start3A_29 = tpu.memref_slice %arg6[%add3A, %dma_start3A_28] : memref<32x112xi32, #tpu.memory_space<hbm>> -> memref<1x112xi32, #tpu.memory_space<hbm>>
      %dma_start3A_30 = tpu.memref_squeeze %dma_start3A_29 : memref<1x112xi32, #tpu.memory_space<hbm>> -> memref<112xi32, #tpu.memory_space<hbm>>
      tpu.enqueue_dma source(%dma_start3A_30 : memref<112xi32, #tpu.memory_space<hbm>>) target(%arg13 : memref<112xi32, #tpu.memory_space<vmem>>) target_semaphore(%run_scoped3A : memref<!tpu.dma_semaphore, #tpu.memory_space<semaphore_mem>>)
      %dma_wait3A_31 = arith.constant 0 : i32
      %dma_wait3A_32 = tpu.memref_slice %arg6[%add3A, %dma_wait3A_31] : memref<32x112xi32, #tpu.memory_space<hbm>> -> memref<1x112xi32, #tpu.memory_space<hbm>>
      %dma_wait3A_33 = tpu.memref_squeeze %dma_wait3A_32 : memref<1x112xi32, #tpu.memory_space<hbm>> -> memref<112xi32, #tpu.memory_space<hbm>>
      %dma_wait3A_34 = arith.constant 0 : i32
      %dma_wait3A_35 = tpu.memref_slice %arg6[%add3A, %dma_wait3A_34] : memref<32x112xi32, #tpu.memory_space<hbm>> -> memref<1x112xi32, #tpu.memory_space<hbm>>
      %dma_wait3A_36 = tpu.memref_squeeze %dma_wait3A_35 : memref<1x112xi32, #tpu.memory_space<hbm>> -> memref<112xi32, #tpu.memory_space<hbm>>
      tpu.wait_dma2 semaphore(%run_scoped3A : memref<!tpu.dma_semaphore, #tpu.memory_space<semaphore_mem>>) src(%dma_wait3A_36 : memref<112xi32, #tpu.memory_space<hbm>>) dst(%arg13 : memref<112xi32, #tpu.memory_space<vmem>>)
      tpu.yield
    }) : () -> ()
    %dma_start3A = arith.constant 0 : i32
    %dma_start3A_3 = arith.constant 0 : i32
    %dma_start3A_4 = tpu.memref_slice %arg7[%dma_start3A, %dma_start3A_3] : memref<9216x768xf32, #tpu.memory_space<hbm>> -> memref<9216x768xf32, #tpu.memory_space<hbm>>
    tpu.enqueue_indirect_dma source(%arg9 : memref<112x768xf32, #tpu.memory_space<vmem>>) target(%dma_start3A_4 : memref<9216x768xf32, #tpu.memory_space<hbm>>) offsets(%arg12 : memref<112xi32, #tpu.memory_space<vmem>>) semaphore(%arg14 : memref<!tpu.dma_semaphore, #tpu.memory_space<semaphore_mem>>)
    %dma_start3A_5 = arith.constant 0 : i32
    %dma_start3A_6 = arith.constant 0 : i32
    %dma_start3A_7 = tpu.memref_slice %arg7[%dma_start3A_5, %dma_start3A_6] : memref<9216x768xf32, #tpu.memory_space<hbm>> -> memref<9216x768xf32, #tpu.memory_space<hbm>>
    tpu.enqueue_indirect_dma source(%arg9 : memref<112x768xf32, #tpu.memory_space<vmem>>) target(%dma_start3A_7 : memref<9216x768xf32, #tpu.memory_space<hbm>>) offsets(%arg13 : memref<112xi32, #tpu.memory_space<vmem>>) semaphore(%arg14 : memref<!tpu.dma_semaphore, #tpu.memory_space<semaphore_mem>>)
    %dma_start3A_8 = arith.constant 0 : i32
    %dma_start3A_9 = arith.constant 0 : i32
    %dma_start3A_10 = tpu.memref_slice %arg8[%dma_start3A_8, %dma_start3A_9] : memref<9216x128xf32, #tpu.memory_space<hbm>> -> memref<9216x128xf32, #tpu.memory_space<hbm>>
    tpu.enqueue_indirect_dma source(%arg10 : memref<112x128xf32, #tpu.memory_space<vmem>>) target(%dma_start3A_10 : memref<9216x128xf32, #tpu.memory_space<hbm>>) offsets(%arg12 : memref<112xi32, #tpu.memory_space<vmem>>) semaphore(%arg14 : memref<!tpu.dma_semaphore, #tpu.memory_space<semaphore_mem>>)
    %dma_start3A_11 = arith.constant 0 : i32
    %dma_start3A_12 = arith.constant 0 : i32
    %dma_start3A_13 = tpu.memref_slice %arg8[%dma_start3A_11, %dma_start3A_12] : memref<9216x128xf32, #tpu.memory_space<hbm>> -> memref<9216x128xf32, #tpu.memory_space<hbm>>
    tpu.enqueue_indirect_dma source(%arg11 : memref<112x128xf32, #tpu.memory_space<vmem>>) target(%dma_start3A_13 : memref<9216x128xf32, #tpu.memory_space<hbm>>) offsets(%arg13 : memref<112xi32, #tpu.memory_space<vmem>>) semaphore(%arg14 : memref<!tpu.dma_semaphore, #tpu.memory_space<semaphore_mem>>)
    %dma_wait3A = arith.constant 0 : i32
    %dma_wait3A_14 = arith.constant 0 : i32
    %dma_wait3A_15 = tpu.memref_slice %arg7[%dma_wait3A, %dma_wait3A_14] : memref<9216x768xf32, #tpu.memory_space<hbm>> -> memref<9216x768xf32, #tpu.memory_space<hbm>>
    tpu.wait_indirect_dma semaphore(%arg14 : memref<!tpu.dma_semaphore, #tpu.memory_space<semaphore_mem>>) src(%arg9 : memref<112x768xf32, #tpu.memory_space<vmem>>) dst(%dma_wait3A_15 : memref<9216x768xf32, #tpu.memory_space<hbm>>)
    %dma_wait3A_16 = arith.constant 0 : i32
    %dma_wait3A_17 = arith.constant 0 : i32
    %dma_wait3A_18 = tpu.memref_slice %arg7[%dma_wait3A_16, %dma_wait3A_17] : memref<9216x768xf32, #tpu.memory_space<hbm>> -> memref<9216x768xf32, #tpu.memory_space<hbm>>
    tpu.wait_indirect_dma semaphore(%arg14 : memref<!tpu.dma_semaphore, #tpu.memory_space<semaphore_mem>>) src(%arg9 : memref<112x768xf32, #tpu.memory_space<vmem>>) dst(%dma_wait3A_18 : memref<9216x768xf32, #tpu.memory_space<hbm>>)
    %dma_wait3A_19 = arith.constant 0 : i32
    %dma_wait3A_20 = arith.constant 0 : i32
    %dma_wait3A_21 = tpu.memref_slice %arg8[%dma_wait3A_19, %dma_wait3A_20] : memref<9216x128xf32, #tpu.memory_space<hbm>> -> memref<9216x128xf32, #tpu.memory_space<hbm>>
    tpu.wait_indirect_dma semaphore(%arg14 : memref<!tpu.dma_semaphore, #tpu.memory_space<semaphore_mem>>) src(%arg10 : memref<112x128xf32, #tpu.memory_space<vmem>>) dst(%dma_wait3A_21 : memref<9216x128xf32, #tpu.memory_space<hbm>>)
    %dma_wait3A_22 = arith.constant 0 : i32
    %dma_wait3A_23 = arith.constant 0 : i32
    %dma_wait3A_24 = tpu.memref_slice %arg8[%dma_wait3A_22, %dma_wait3A_23] : memref<9216x128xf32, #tpu.memory_space<hbm>> -> memref<9216x128xf32, #tpu.memory_space<hbm>>
    tpu.wait_indirect_dma semaphore(%arg14 : memref<!tpu.dma_semaphore, #tpu.memory_space<semaphore_mem>>) src(%arg11 : memref<112x128xf32, #tpu.memory_space<vmem>>) dst(%dma_wait3A_24 : memref<9216x128xf32, #tpu.memory_space<hbm>>)
    return
  }
}

module attributes {stable_mosaic.version = 14 : i64} {
  func.func @_finish_body(%arg0: memref<1x8xf32, #tpu.memory_space<vmem>>, %arg1: memref<1x8xf32, #tpu.memory_space<vmem>>, %arg2: memref<1x1xf32, #tpu.memory_space<vmem>>, %arg3: memref<3584x1xi32, #tpu.memory_space<vmem>>, %arg4: memref<3584x1xi32, #tpu.memory_space<vmem>>, %arg5: memref<3584x1xi32, #tpu.memory_space<vmem>>, %arg6: memref<3584x1xi32, #tpu.memory_space<vmem>>, %arg7: memref<3584x1xf32, #tpu.memory_space<vmem>>, %arg8: memref<3584x1xf32, #tpu.memory_space<vmem>>, %arg9: memref<8x8xf32, #tpu.memory_space<vmem>>, %arg10: memref<3584x1xi32, #tpu.memory_space<vmem>>, %arg11: memref<3584x1xi32, #tpu.memory_space<vmem>>, %arg12: memref<36x1xi32, #tpu.memory_space<vmem>>, %arg13: memref<1x1xf32, #tpu.memory_space<vmem>>, %arg14: memref<3584x128xf32, #tpu.memory_space<vmem>>, %arg15: memref<3584x128xf32, #tpu.memory_space<vmem>>) attributes {dimension_semantics = [], scalar_prefetch = 0 : i64, scratch_operands = 0 : i64, tpu.core_type = #tpu.core_type<tc>} {
    %get3A = arith.constant 0 : index
    %get3A_0 = arith.constant 0 : index
    %get3A_1 = vector.load %arg0[%get3A, %get3A_0] : memref<1x8xf32, #tpu.memory_space<vmem>>, vector<1x8xf32>
    %add3A = arith.constant 2.550000e+02 : f32
    %add3A_2 = vector.broadcast %add3A : f32 to vector<1x8xf32>
    %add3A_3 = arith.addf %get3A_1, %add3A_2 : vector<1x8xf32>
    %mul3A = arith.constant 3.906250e-03 : f32
    %mul3A_4 = vector.broadcast %mul3A : f32 to vector<1x8xf32>
    %mul3A_5 = arith.mulf %add3A_3, %mul3A_4 : vector<1x8xf32>
    %floor3A = math.floor %mul3A_5 : vector<1x8xf32>
    %mul3A_6 = arith.constant 2.560000e+02 : f32
    %mul3A_7 = vector.broadcast %mul3A_6 : f32 to vector<1x8xf32>
    %mul3A_8 = arith.mulf %floor3A, %mul3A_7 : vector<1x8xf32>
    %get3A_9 = arith.constant 0 : index
    %get3A_10 = arith.constant 0 : index
    %get3A_11 = vector.load %arg9[%get3A_9, %get3A_10] : memref<8x8xf32, #tpu.memory_space<vmem>>, vector<8x8xf32>
    %dot_general3A = arith.constant dense<0.000000e+00> : vector<1x8xf32>
    %dot_general3A_12 = tpu.matmul %mul3A_8, %get3A_11, %dot_general3A {dimension_numbers = #tpu.dot_dimension_numbers<[1], [0], [0], [1], [0, 0, 1, 1], [], []>, precision = #tpu.contract_precision<fp32>, transpose_lhs_hint = false} : vector<1x8xf32>, vector<8x8xf32>, vector<1x8xf32> -> vector<1x8xf32>
    %iota3A = tpu.iota {dimensions = array<i32: 1>} : vector<3584x8xi32>
    %get3A_13 = arith.constant 0 : index
    %get3A_14 = arith.constant 0 : index
    %get3A_15 = vector.load %arg3[%get3A_13, %get3A_14] : memref<3584x1xi32, #tpu.memory_space<vmem>>, vector<3584x1xi32>
    %eq3A = vector.broadcast %get3A_15 : vector<3584x1xi32> to vector<3584x8xi32>
    %eq3A_16 = arith.cmpi eq, %iota3A, %eq3A : vector<3584x8xi32>
    %convert_element_type3A = arith.extui %eq3A_16 : vector<3584x8xi1> to vector<3584x8xi32>
    %convert_element_type3A_17 = arith.sitofp %convert_element_type3A : vector<3584x8xi32> to vector<3584x8xf32>
    %get3A_18 = arith.constant 0 : index
    %get3A_19 = arith.constant 0 : index
    %get3A_20 = vector.load %arg4[%get3A_18, %get3A_19] : memref<3584x1xi32, #tpu.memory_space<vmem>>, vector<3584x1xi32>
    %eq3A_21 = vector.broadcast %get3A_20 : vector<3584x1xi32> to vector<3584x8xi32>
    %eq3A_22 = arith.cmpi eq, %iota3A, %eq3A_21 : vector<3584x8xi32>
    %convert_element_type3A_23 = arith.extui %eq3A_22 : vector<3584x8xi1> to vector<3584x8xi32>
    %convert_element_type3A_24 = arith.sitofp %convert_element_type3A_23 : vector<3584x8xi32> to vector<3584x8xf32>
    %mul3A_25 = vector.broadcast %dot_general3A_12 : vector<1x8xf32> to vector<3584x8xf32>
    %mul3A_26 = arith.mulf %convert_element_type3A_17, %mul3A_25 : vector<3584x8xf32>
    %reduce_sum3A = arith.constant dense<0.000000e+00> : vector<3584xf32>
    %reduce_sum3A_27 = vector.multi_reduction <add>, %mul3A_26, %reduce_sum3A [1] : vector<3584x8xf32> to vector<3584xf32>
    %broadcast_in_dim3A = vector.shape_cast %reduce_sum3A_27 : vector<3584xf32> to vector<3584x1xf32>
    %convert_element_type3A_28 = arith.fptosi %broadcast_in_dim3A : vector<3584x1xf32> to vector<3584x1xi32>
    %get3A_29 = arith.constant 0 : index
    %get3A_30 = arith.constant 0 : index
    %get3A_31 = vector.load %arg5[%get3A_29, %get3A_30] : memref<3584x1xi32, #tpu.memory_space<vmem>>, vector<3584x1xi32>
    %add3A_32 = arith.addi %convert_element_type3A_28, %get3A_31 : vector<3584x1xi32>
    %mul3A_33 = vector.broadcast %dot_general3A_12 : vector<1x8xf32> to vector<3584x8xf32>
    %mul3A_34 = arith.mulf %convert_element_type3A_24, %mul3A_33 : vector<3584x8xf32>
    %reduce_sum3A_35 = arith.constant dense<0.000000e+00> : vector<3584xf32>
    %reduce_sum3A_36 = vector.multi_reduction <add>, %mul3A_34, %reduce_sum3A_35 [1] : vector<3584x8xf32> to vector<3584xf32>
    %broadcast_in_dim3A_37 = vector.shape_cast %reduce_sum3A_36 : vector<3584xf32> to vector<3584x1xf32>
    %convert_element_type3A_38 = arith.fptosi %broadcast_in_dim3A_37 : vector<3584x1xf32> to vector<3584x1xi32>
    %get3A_39 = arith.constant 0 : index
    %get3A_40 = arith.constant 0 : index
    %get3A_41 = vector.load %arg6[%get3A_39, %get3A_40] : memref<3584x1xi32, #tpu.memory_space<vmem>>, vector<3584x1xi32>
    %add3A_42 = arith.addi %convert_element_type3A_38, %get3A_41 : vector<3584x1xi32>
    %swap3A = arith.constant 0 : index
    %swap3A_43 = arith.constant 0 : index
    %swap3A_44 = vector.load %arg10[%swap3A, %swap3A_43] : memref<3584x1xi32, #tpu.memory_space<vmem>>, vector<3584x1xi32>
    tpu.vector_store %arg10[%swap3A, %swap3A_43], %add3A_32 {strides = array<i32>} : memref<3584x1xi32, #tpu.memory_space<vmem>>, vector<3584x1xi32>,
    %swap3A_45 = arith.constant 0 : index
    %swap3A_46 = arith.constant 0 : index
    %swap3A_47 = vector.load %arg11[%swap3A_45, %swap3A_46] : memref<3584x1xi32, #tpu.memory_space<vmem>>, vector<3584x1xi32>
    tpu.vector_store %arg11[%swap3A_45, %swap3A_46], %add3A_42 {strides = array<i32>} : memref<3584x1xi32, #tpu.memory_space<vmem>>, vector<3584x1xi32>,
    %iota3A_48 = tpu.iota {dimensions = array<i32: 0>} : vector<36x8xi32>
    %convert_element_type3A_49 = arith.sitofp %iota3A_48 : vector<36x8xi32> to vector<36x8xf32>
    %mul3A_50 = arith.constant 2.560000e+02 : f32
    %mul3A_51 = vector.broadcast %mul3A_50 : f32 to vector<36x8xf32>
    %mul3A_52 = arith.mulf %convert_element_type3A_49, %mul3A_51 : vector<36x8xf32>
    %ge3A = vector.broadcast %dot_general3A_12 : vector<1x8xf32> to vector<36x8xf32>
    %ge3A_53 = arith.cmpf oge, %mul3A_52, %ge3A : vector<36x8xf32>
    %convert_element_type3A_54 = arith.extui %ge3A_53 : vector<36x8xi1> to vector<36x8xi32>
    %reduce_sum3A_55 = arith.constant dense<0> : vector<36xi32>
    %reduce_sum3A_56 = vector.multi_reduction <add>, %convert_element_type3A_54, %reduce_sum3A_55 [1] : vector<36x8xi32> to vector<36xi32>
    %broadcast_in_dim3A_57 = vector.shape_cast %reduce_sum3A_56 : vector<36xi32> to vector<36x1xi32>
    %sub3A = arith.constant 1 : i32
    %sub3A_58 = vector.broadcast %sub3A : i32 to vector<36x1xi32>
    %sub3A_59 = arith.subi %broadcast_in_dim3A_57, %sub3A_58 : vector<36x1xi32>
    %swap3A_60 = arith.constant 0 : index
    %swap3A_61 = arith.constant 0 : index
    %swap3A_62 = vector.load %arg12[%swap3A_60, %swap3A_61] : memref<36x1xi32, #tpu.memory_space<vmem>>, vector<36x1xi32>
    tpu.vector_store %arg12[%swap3A_60, %swap3A_61], %sub3A_59 {strides = array<i32>} : memref<36x1xi32, #tpu.memory_space<vmem>>, vector<36x1xi32>,
    %get3A_63 = arith.constant 0 : index
    %get3A_64 = arith.constant 0 : index
    %get3A_65 = vector.load %arg1[%get3A_63, %get3A_64] : memref<1x8xf32, #tpu.memory_space<vmem>>, vector<1x8xf32>
    %mul3A_66 = arith.mulf %get3A_1, %get3A_65 : vector<1x8xf32>
    %reduce_sum3A_67 = vector.shape_cast %mul3A_66 : vector<1x8xf32> to vector<1x1x8xf32>
    %reduce_sum3A_68 = arith.constant dense<0.000000e+00> : vector<1xf32>
    %reduce_sum3A_69 = vector.multi_reduction <add>, %reduce_sum3A_67, %reduce_sum3A_68 [1, 2] : vector<1x1x8xf32> to vector<1xf32>
    %reduce_sum3A_70 = vector.shape_cast %reduce_sum3A_69 : vector<1xf32> to vector<1x1x1xf32>
    %reduce_sum3A_71 = vector.extract %reduce_sum3A_70[0, 0, 0] : f32 from vector<1x1x1xf32>
    %mul3A_72 = arith.constant 8.000000e+00 : f32
    %mul3A_73 = arith.mulf %mul3A_72, %reduce_sum3A_71 : f32
    %mul3A_74 = arith.constant 7.7850963E-8 : f32
    %mul3A_75 = arith.mulf %mul3A_73, %mul3A_74 : f32
    %mul3A_76 = arith.constant 0.00999999977 : f32
    %mul3A_77 = arith.mulf %mul3A_76, %mul3A_75 : f32
    %get3A_78 = arith.constant 0 : index
    %get3A_79 = arith.constant 0 : index
    %get3A_80 = vector.load %arg2[%get3A_78, %get3A_79] : memref<1x1xf32, #tpu.memory_space<vmem>>, vector<1x1xf32>
    %mul3A_81 = arith.constant 2.7901787E-4 : f32
    %mul3A_82 = vector.broadcast %mul3A_81 : f32 to vector<1x1xf32>
    %mul3A_83 = arith.mulf %get3A_80, %mul3A_82 : vector<1x1xf32>
    %mul3A_84 = arith.constant 1.000000e-03 : f32
    %mul3A_85 = vector.broadcast %mul3A_84 : f32 to vector<1x1xf32>
    %mul3A_86 = arith.mulf %mul3A_85, %mul3A_83 : vector<1x1xf32>
    %add3A_87 = vector.broadcast %mul3A_77 : f32 to vector<1x1xf32>
    %add3A_88 = arith.addf %add3A_87, %mul3A_86 : vector<1x1xf32>
    %swap3A_89 = arith.constant 0 : index
    %swap3A_90 = arith.constant 0 : index
    %swap3A_91 = vector.load %arg13[%swap3A_89, %swap3A_90] : memref<1x1xf32, #tpu.memory_space<vmem>>, vector<1x1xf32>
    tpu.vector_store %arg13[%swap3A_89, %swap3A_90], %add3A_88 {strides = array<i32>} : memref<1x1xf32, #tpu.memory_space<vmem>>, vector<1x1xf32>,
    %get3A_92 = arith.constant 0 : index
    %get3A_93 = arith.constant 0 : index
    %get3A_94 = vector.load %arg7[%get3A_92, %get3A_93] : memref<3584x1xf32, #tpu.memory_space<vmem>>, vector<3584x1xf32>
    %broadcast_in_dim3A_95 = vector.shape_cast %get3A_94 : vector<3584x1xf32> to vector<3584x1xf32>
    %broadcast_in_dim3A_96 = vector.broadcast %broadcast_in_dim3A_95 : vector<3584x1xf32> to vector<3584x128xf32>
    %swap3A_97 = arith.constant 0 : index
    %swap3A_98 = arith.constant 0 : index
    %swap3A_99 = vector.load %arg14[%swap3A_97, %swap3A_98] : memref<3584x128xf32, #tpu.memory_space<vmem>>, vector<3584x128xf32>
    tpu.vector_store %arg14[%swap3A_97, %swap3A_98], %broadcast_in_dim3A_96 {strides = array<i32>} : memref<3584x128xf32, #tpu.memory_space<vmem>>, vector<3584x128xf32>,
    %get3A_100 = arith.constant 0 : index
    %get3A_101 = arith.constant 0 : index
    %get3A_102 = vector.load %arg8[%get3A_100, %get3A_101] : memref<3584x1xf32, #tpu.memory_space<vmem>>, vector<3584x1xf32>
    %broadcast_in_dim3A_103 = vector.shape_cast %get3A_102 : vector<3584x1xf32> to vector<3584x1xf32>
    %broadcast_in_dim3A_104 = vector.broadcast %broadcast_in_dim3A_103 : vector<3584x1xf32> to vector<3584x128xf32>
    %swap3A_105 = arith.constant 0 : index
    %swap3A_106 = arith.constant 0 : index
    %swap3A_107 = vector.load %arg15[%swap3A_105, %swap3A_106] : memref<3584x128xf32, #tpu.memory_space<vmem>>, vector<3584x128xf32>
    tpu.vector_store %arg15[%swap3A_105, %swap3A_106], %broadcast_in_dim3A_104 {strides = array<i32>} : memref<3584x128xf32, #tpu.memory_space<vmem>>, vector<3584x128xf32>,
    return
  }
}

module attributes {stable_mosaic.version = 14 : i64} {
  func.func @_prologue_body(%arg0: i32, %arg1: memref<512x16xf32, #tpu.memory_space<vmem>>, %arg2: memref<16x768xf32, #tpu.memory_space<vmem>>, %arg3: memref<512x768xf32, #tpu.memory_space<vmem>>, %arg4: memref<768x8xf32, #tpu.memory_space<vmem>>, %arg5: memref<512x512xf32, #tpu.memory_space<vmem>>, %arg6: memref<512x768xf32, #tpu.memory_space<vmem>>, %arg7: memref<512x1xi32, #tpu.memory_space<vmem>>, %arg8: memref<512x1xi32, #tpu.memory_space<vmem>>, %arg9: memref<512x1xf32, #tpu.memory_space<vmem>>, %arg10: memref<512x1xf32, #tpu.memory_space<vmem>>, %arg11: memref<512x1xi32, #tpu.memory_space<vmem>>, %arg12: memref<512x1xi32, #tpu.memory_space<vmem>>, %arg13: memref<1x8xf32, #tpu.memory_space<vmem>>, %arg14: memref<1x8xf32, #tpu.memory_space<vmem>>, %arg15: memref<1x1xf32, #tpu.memory_space<vmem>>, %arg16: memref<8x128xf32, #tpu.memory_space<vmem>>) attributes {dimension_semantics = [#tpu.dimension_semantics<arbitrary>], iteration_bounds = array<i64: 7>, scalar_prefetch = 0 : i64, scratch_operands = 1 : i64, tpu.core_type = #tpu.core_type<tc>, window_params = [{transform_indices = @transform_0, window_bounds = array<i64: 512, 16>}, {pipeline_mode = #tpu.pipeline_mode<synchronous>, transform_indices = @transform_1, window_bounds = array<i64: 16, 768>}, {transform_indices = @transform_2, window_bounds = array<i64: 512, 768>}, {pipeline_mode = #tpu.pipeline_mode<synchronous>, transform_indices = @transform_3, window_bounds = array<i64: 768, 8>}, {pipeline_mode = #tpu.pipeline_mode<synchronous>, transform_indices = @transform_4, window_bounds = array<i64: 512, 512>}, {transform_indices = @transform_5, window_bounds = array<i64: 512, 768>}, {transform_indices = @transform_6, window_bounds = array<i64: 512, 1>}, {transform_indices = @transform_7, window_bounds = array<i64: 512, 1>}, {transform_indices = @transform_8, window_bounds = array<i64: 512, 1>}, {transform_indices = @transform_9, window_bounds = array<i64: 512, 1>}, {transform_indices = @transform_10, window_bounds = array<i64: 512, 1>}, {transform_indices = @transform_11, window_bounds = array<i64: 512, 1>}, {pipeline_mode = #tpu.pipeline_mode<synchronous>, transform_indices = @transform_12, window_bounds = array<i64: 1, 8>}, {pipeline_mode = #tpu.pipeline_mode<synchronous>, transform_indices = @transform_13, window_bounds = array<i64: 1, 8>}, {pipeline_mode = #tpu.pipeline_mode<synchronous>, transform_indices = @transform_14, window_bounds = array<i64: 1, 1>}]} {
    %eq3A = arith.constant 0 : i32
    %eq3A_0 = arith.cmpi eq, %arg0, %eq3A : i32
    %convert_element_type3A = arith.extui %eq3A_0 : i1 to i32
    %cond3A = arith.constant 0 : i32
    %cond3A_1 = arith.cmpi ne, %convert_element_type3A, %cond3A : i32
    scf.if %cond3A_1 {
      %broadcast_in_dim3A_137 = arith.constant 0.000000e+00 : f32
      %broadcast_in_dim3A_138 = vector.broadcast %broadcast_in_dim3A_137 : f32 to vector<8x128xf32>
      %swap3A_139 = arith.constant 0 : index
      %swap3A_140 = arith.constant 0 : index
      %swap3A_141 = vector.load %arg16[%swap3A_139, %swap3A_140] : memref<8x128xf32, #tpu.memory_space<vmem>>, vector<8x128xf32>
      tpu.vector_store %arg16[%swap3A_139, %swap3A_140], %broadcast_in_dim3A_138 {strides = array<i32>} : memref<8x128xf32, #tpu.memory_space<vmem>>, vector<8x128xf32>,
    } else {
    }
    %get3A = arith.constant 0 : index
    %get3A_2 = arith.constant 0 : index
    %get3A_3 = vector.load %arg1[%get3A, %get3A_2] : memref<512x16xf32, #tpu.memory_space<vmem>>, vector<512x16xf32>
    %get3A_4 = arith.constant 0 : index
    %get3A_5 = arith.constant 0 : index
    %get3A_6 = vector.load %arg2[%get3A_4, %get3A_5] : memref<16x768xf32, #tpu.memory_space<vmem>>, vector<16x768xf32>
    %dot_general3A = arith.constant dense<0.000000e+00> : vector<512x768xf32>
    %dot_general3A_7 = tpu.matmul %get3A_3, %get3A_6, %dot_general3A {dimension_numbers = #tpu.dot_dimension_numbers<[1], [0], [0], [1], [0, 0, 1, 1], [], []>, transpose_lhs_hint = false} : vector<512x16xf32>, vector<16x768xf32>, vector<512x768xf32> -> vector<512x768xf32>
    %get3A_8 = arith.constant 0 : index
    %get3A_9 = arith.constant 0 : index
    %get3A_10 = vector.load %arg3[%get3A_8, %get3A_9] : memref<512x768xf32, #tpu.memory_space<vmem>>, vector<512x768xf32>
    %add3A = arith.addf %dot_general3A_7, %get3A_10 : vector<512x768xf32>
    %swap3A = arith.constant 0 : index
    %swap3A_11 = arith.constant 0 : index
    %swap3A_12 = vector.load %arg6[%swap3A, %swap3A_11] : memref<512x768xf32, #tpu.memory_space<vmem>>, vector<512x768xf32>
    tpu.vector_store %arg6[%swap3A, %swap3A_11], %add3A {strides = array<i32>} : memref<512x768xf32, #tpu.memory_space<vmem>>, vector<512x768xf32>,
    %get3A_13 = arith.constant 0 : index
    %get3A_14 = arith.constant 0 : index
    %get3A_15 = vector.load %arg4[%get3A_13, %get3A_14] : memref<768x8xf32, #tpu.memory_space<vmem>>, vector<768x8xf32>
    %dot_general3A_16 = arith.constant dense<0.000000e+00> : vector<512x8xf32>
    %dot_general3A_17 = tpu.matmul %add3A, %get3A_15, %dot_general3A_16 {dimension_numbers = #tpu.dot_dimension_numbers<[1], [0], [0], [1], [0, 0, 1, 1], [], []>, transpose_lhs_hint = false} : vector<512x768xf32>, vector<768x8xf32>, vector<512x8xf32> -> vector<512x8xf32>
    %reduce_max3A = arith.constant dense<0xFF800000> : vector<512xf32>
    %reduce_max3A_18 = vector.multi_reduction <maximumf>, %dot_general3A_17, %reduce_max3A [1] : vector<512x8xf32> to vector<512xf32>
    %broadcast_in_dim3A = vector.shape_cast %reduce_max3A_18 : vector<512xf32> to vector<512x1xf32>
    %sub3A = vector.broadcast %broadcast_in_dim3A : vector<512x1xf32> to vector<512x8xf32>
    %sub3A_19 = arith.subf %dot_general3A_17, %sub3A : vector<512x8xf32>
    %exp3A = math.exp %sub3A_19 : vector<512x8xf32>
    %reduce_sum3A = arith.constant dense<0.000000e+00> : vector<512xf32>
    %reduce_sum3A_20 = vector.multi_reduction <add>, %exp3A, %reduce_sum3A [1] : vector<512x8xf32> to vector<512xf32>
    %broadcast_in_dim3A_21 = vector.shape_cast %reduce_sum3A_20 : vector<512xf32> to vector<512x1xf32>
    %div3A = vector.broadcast %broadcast_in_dim3A_21 : vector<512x1xf32> to vector<512x8xf32>
    %div3A_22 = arith.divf %exp3A, %div3A : vector<512x8xf32>
    %log3A = math.log %broadcast_in_dim3A_21 : vector<512x1xf32>
    %add3A_23 = arith.addf %log3A, %broadcast_in_dim3A : vector<512x1xf32>
    %iota3A = tpu.iota {dimensions = array<i32: 1>} : vector<512x8xi32>
    %reduce_max3A_24 = arith.constant dense<0xFF800000> : vector<512xf32>
    %reduce_max3A_25 = vector.multi_reduction <maximumf>, %div3A_22, %reduce_max3A_24 [1] : vector<512x8xf32> to vector<512xf32>
    %broadcast_in_dim3A_26 = vector.shape_cast %reduce_max3A_25 : vector<512xf32> to vector<512x1xf32>
    %eq3A_27 = vector.broadcast %broadcast_in_dim3A_26 : vector<512x1xf32> to vector<512x8xf32>
    %eq3A_28 = arith.cmpf oeq, %div3A_22, %eq3A_27 : vector<512x8xf32>
    %jit3A = arith.constant 8 : i32
    %broadcast_in_dim3A_29 = vector.broadcast %jit3A : i32 to vector<512x8xi32>
    %select_n3A = arith.select %eq3A_28, %iota3A, %broadcast_in_dim3A_29 : vector<512x8xi1>, vector<512x8xi32>
    %reduce_min3A = arith.constant dense<2147483647> : vector<512xi32>
    %reduce_min3A_30 = vector.multi_reduction <minsi>, %select_n3A, %reduce_min3A [1] : vector<512x8xi32> to vector<512xi32>
    %broadcast_in_dim3A_31 = vector.shape_cast %reduce_min3A_30 : vector<512xi32> to vector<512x1xi32>
    %eq3A_32 = vector.broadcast %broadcast_in_dim3A_31 : vector<512x1xi32> to vector<512x8xi32>
    %eq3A_33 = arith.cmpi eq, %iota3A, %eq3A_32 : vector<512x8xi32>
    %jit3A_34 = arith.constant 0xFF800000 : f32
    %broadcast_in_dim3A_35 = vector.broadcast %jit3A_34 : f32 to vector<512x8xf32>
    %select_n3A_36 = arith.select %eq3A_33, %broadcast_in_dim3A_35, %div3A_22 : vector<512x8xi1>, vector<512x8xf32>
    %reduce_max3A_37 = arith.constant dense<0xFF800000> : vector<512xf32>
    %reduce_max3A_38 = vector.multi_reduction <maximumf>, %select_n3A_36, %reduce_max3A_37 [1] : vector<512x8xf32> to vector<512xf32>
    %broadcast_in_dim3A_39 = vector.shape_cast %reduce_max3A_38 : vector<512xf32> to vector<512x1xf32>
    %eq3A_40 = vector.broadcast %broadcast_in_dim3A_39 : vector<512x1xf32> to vector<512x8xf32>
    %eq3A_41 = arith.cmpf oeq, %select_n3A_36, %eq3A_40 : vector<512x8xf32>
    %jit3A_42 = arith.constant 8 : i32
    %broadcast_in_dim3A_43 = vector.broadcast %jit3A_42 : i32 to vector<512x8xi32>
    %select_n3A_44 = arith.select %eq3A_41, %iota3A, %broadcast_in_dim3A_43 : vector<512x8xi1>, vector<512x8xi32>
    %reduce_min3A_45 = arith.constant dense<2147483647> : vector<512xi32>
    %reduce_min3A_46 = vector.multi_reduction <minsi>, %select_n3A_44, %reduce_min3A_45 [1] : vector<512x8xi32> to vector<512xi32>
    %broadcast_in_dim3A_47 = vector.shape_cast %reduce_min3A_46 : vector<512xi32> to vector<512x1xi32>
    %eq3A_48 = vector.broadcast %broadcast_in_dim3A_47 : vector<512x1xi32> to vector<512x8xi32>
    %eq3A_49 = arith.cmpi eq, %iota3A, %eq3A_48 : vector<512x8xi32>
    %convert_element_type3A_50 = arith.extui %eq3A_33 : vector<512x8xi1> to vector<512x8xi32>
    %convert_element_type3A_51 = arith.sitofp %convert_element_type3A_50 : vector<512x8xi32> to vector<512x8xf32>
    %convert_element_type3A_52 = arith.extui %eq3A_49 : vector<512x8xi1> to vector<512x8xi32>
    %convert_element_type3A_53 = arith.sitofp %convert_element_type3A_52 : vector<512x8xi32> to vector<512x8xf32>
    %add3A_54 = arith.addf %convert_element_type3A_51, %convert_element_type3A_53 : vector<512x8xf32>
    %get3A_55 = arith.constant 0 : index
    %get3A_56 = arith.constant 0 : index
    %get3A_57 = vector.load %arg5[%get3A_55, %get3A_56] : memref<512x512xf32, #tpu.memory_space<vmem>>, vector<512x512xf32>
    %dot_general3A_58 = arith.constant dense<0.000000e+00> : vector<512x8xf32>
    %dot_general3A_59 = tpu.matmul %get3A_57, %add3A_54, %dot_general3A_58 {dimension_numbers = #tpu.dot_dimension_numbers<[1], [0], [0], [1], [0, 0, 1, 1], [], []>, precision = #tpu.contract_precision<fp32>, transpose_lhs_hint = false} : vector<512x512xf32>, vector<512x8xf32>, vector<512x8xf32> -> vector<512x8xf32>
    %get3A_60 = arith.constant 0 : index
    %get3A_61 = arith.constant 0 : index
    %get3A_62 = vector.load %arg16[%get3A_60, %get3A_61] : memref<8x128xf32, #tpu.memory_space<vmem>>, vector<1x8xf32>
    %sub3A_63 = arith.subf %dot_general3A_59, %add3A_54 : vector<512x8xf32>
    %add3A_64 = vector.broadcast %get3A_62 : vector<1x8xf32> to vector<512x8xf32>
    %add3A_65 = arith.addf %sub3A_63, %add3A_64 : vector<512x8xf32>
    %convert_element_type3A_66 = arith.extui %eq3A_33 : vector<512x8xi1> to vector<512x8xi32>
    %convert_element_type3A_67 = arith.sitofp %convert_element_type3A_66 : vector<512x8xi32> to vector<512x8xf32>
    %mul3A = arith.mulf %add3A_65, %convert_element_type3A_67 : vector<512x8xf32>
    %reduce_sum3A_68 = arith.constant dense<0.000000e+00> : vector<512xf32>
    %reduce_sum3A_69 = vector.multi_reduction <add>, %mul3A, %reduce_sum3A_68 [1] : vector<512x8xf32> to vector<512xf32>
    %broadcast_in_dim3A_70 = vector.shape_cast %reduce_sum3A_69 : vector<512xf32> to vector<512x1xf32>
    %convert_element_type3A_71 = arith.extui %eq3A_49 : vector<512x8xi1> to vector<512x8xi32>
    %convert_element_type3A_72 = arith.sitofp %convert_element_type3A_71 : vector<512x8xi32> to vector<512x8xf32>
    %mul3A_73 = arith.mulf %add3A_65, %convert_element_type3A_72 : vector<512x8xf32>
    %reduce_sum3A_74 = arith.constant dense<0.000000e+00> : vector<512xf32>
    %reduce_sum3A_75 = vector.multi_reduction <add>, %mul3A_73, %reduce_sum3A_74 [1] : vector<512x8xf32> to vector<512xf32>
    %broadcast_in_dim3A_76 = vector.shape_cast %reduce_sum3A_75 : vector<512xf32> to vector<512x1xf32>
    %swap3A_77 = arith.constant 0 : index
    %swap3A_78 = arith.constant 0 : index
    %swap3A_79 = vector.load %arg7[%swap3A_77, %swap3A_78] : memref<512x1xi32, #tpu.memory_space<vmem>>, vector<512x1xi32>
    tpu.vector_store %arg7[%swap3A_77, %swap3A_78], %broadcast_in_dim3A_31 {strides = array<i32>} : memref<512x1xi32, #tpu.memory_space<vmem>>, vector<512x1xi32>,
    %swap3A_80 = arith.constant 0 : index
    %swap3A_81 = arith.constant 0 : index
    %swap3A_82 = vector.load %arg8[%swap3A_80, %swap3A_81] : memref<512x1xi32, #tpu.memory_space<vmem>>, vector<512x1xi32>
    tpu.vector_store %arg8[%swap3A_80, %swap3A_81], %broadcast_in_dim3A_47 {strides = array<i32>} : memref<512x1xi32, #tpu.memory_space<vmem>>, vector<512x1xi32>,
    %swap3A_83 = arith.constant 0 : index
    %swap3A_84 = arith.constant 0 : index
    %swap3A_85 = vector.load %arg9[%swap3A_83, %swap3A_84] : memref<512x1xf32, #tpu.memory_space<vmem>>, vector<512x1xf32>
    tpu.vector_store %arg9[%swap3A_83, %swap3A_84], %broadcast_in_dim3A_26 {strides = array<i32>} : memref<512x1xf32, #tpu.memory_space<vmem>>, vector<512x1xf32>,
    %swap3A_86 = arith.constant 0 : index
    %swap3A_87 = arith.constant 0 : index
    %swap3A_88 = vector.load %arg10[%swap3A_86, %swap3A_87] : memref<512x1xf32, #tpu.memory_space<vmem>>, vector<512x1xf32>
    tpu.vector_store %arg10[%swap3A_86, %swap3A_87], %broadcast_in_dim3A_39 {strides = array<i32>} : memref<512x1xf32, #tpu.memory_space<vmem>>, vector<512x1xf32>,
    %convert_element_type3A_89 = arith.fptosi %broadcast_in_dim3A_70 : vector<512x1xf32> to vector<512x1xi32>
    %swap3A_90 = arith.constant 0 : index
    %swap3A_91 = arith.constant 0 : index
    %swap3A_92 = vector.load %arg11[%swap3A_90, %swap3A_91] : memref<512x1xi32, #tpu.memory_space<vmem>>, vector<512x1xi32>
    tpu.vector_store %arg11[%swap3A_90, %swap3A_91], %convert_element_type3A_89 {strides = array<i32>} : memref<512x1xi32, #tpu.memory_space<vmem>>, vector<512x1xi32>,
    %convert_element_type3A_93 = arith.fptosi %broadcast_in_dim3A_76 : vector<512x1xf32> to vector<512x1xi32>
    %swap3A_94 = arith.constant 0 : index
    %swap3A_95 = arith.constant 0 : index
    %swap3A_96 = vector.load %arg12[%swap3A_94, %swap3A_95] : memref<512x1xi32, #tpu.memory_space<vmem>>, vector<512x1xi32>
    tpu.vector_store %arg12[%swap3A_94, %swap3A_95], %convert_element_type3A_93 {strides = array<i32>} : memref<512x1xi32, #tpu.memory_space<vmem>>, vector<512x1xi32>,
    %reduce_sum3A_97 = arith.constant dense<0.000000e+00> : vector<8xf32>
    %reduce_sum3A_98 = vector.multi_reduction <add>, %add3A_54, %reduce_sum3A_97 [0] : vector<512x8xf32> to vector<8xf32>
    %broadcast_in_dim3A_99 = vector.shape_cast %reduce_sum3A_98 : vector<8xf32> to vector<1x8xf32>
    %add3A_100 = arith.addf %get3A_62, %broadcast_in_dim3A_99 : vector<1x8xf32>
    %get3A_101 = arith.constant 1 : index
    %get3A_102 = arith.constant 0 : index
    %get3A_103 = vector.load %arg16[%get3A_101, %get3A_102] : memref<8x128xf32, #tpu.memory_space<vmem>>, vector<1x8xf32>
    %reduce_sum3A_104 = arith.constant dense<0.000000e+00> : vector<8xf32>
    %reduce_sum3A_105 = vector.multi_reduction <add>, %div3A_22, %reduce_sum3A_104 [0] : vector<512x8xf32> to vector<8xf32>
    %broadcast_in_dim3A_106 = vector.shape_cast %reduce_sum3A_105 : vector<8xf32> to vector<1x8xf32>
    %add3A_107 = arith.addf %get3A_103, %broadcast_in_dim3A_106 : vector<1x8xf32>
    %get3A_108 = arith.constant 2 : index
    %get3A_109 = arith.constant 0 : index
    %get3A_110 = vector.load %arg16[%get3A_108, %get3A_109] : memref<8x128xf32, #tpu.memory_space<vmem>>, vector<1x1xf32>
    %mul3A_111 = arith.mulf %add3A_23, %add3A_23 : vector<512x1xf32>
    %reduce_sum3A_112 = vector.shape_cast %mul3A_111 : vector<512x1xf32> to vector<1x512x1xf32>
    %reduce_sum3A_113 = arith.constant dense<0.000000e+00> : vector<1xf32>
    %reduce_sum3A_114 = vector.multi_reduction <add>, %reduce_sum3A_112, %reduce_sum3A_113 [1, 2] : vector<1x512x1xf32> to vector<1xf32>
    %reduce_sum3A_115 = vector.shape_cast %reduce_sum3A_114 : vector<1xf32> to vector<1x1x1xf32>
    %reduce_sum3A_116 = vector.extract %reduce_sum3A_115[0, 0, 0] : f32 from vector<1x1x1xf32>
    %add3A_117 = vector.broadcast %reduce_sum3A_116 : f32 to vector<1x1xf32>
    %add3A_118 = arith.addf %get3A_110, %add3A_117 : vector<1x1xf32>
    %swap3A_119 = arith.constant 0 : index
    %swap3A_120 = arith.constant 0 : index
    %swap3A_121 = vector.load %arg16[%swap3A_119, %swap3A_120] : memref<8x128xf32, #tpu.memory_space<vmem>>, vector<1x8xf32>
    tpu.vector_store %arg16[%swap3A_119, %swap3A_120], %add3A_100 {strides = array<i32>} : memref<8x128xf32, #tpu.memory_space<vmem>>, vector<1x8xf32>,
    %swap3A_122 = arith.constant 1 : index
    %swap3A_123 = arith.constant 0 : index
    %swap3A_124 = vector.load %arg16[%swap3A_122, %swap3A_123] : memref<8x128xf32, #tpu.memory_space<vmem>>, vector<1x8xf32>
    tpu.vector_store %arg16[%swap3A_122, %swap3A_123], %add3A_107 {strides = array<i32>} : memref<8x128xf32, #tpu.memory_space<vmem>>, vector<1x8xf32>,
    %swap3A_125 = arith.constant 2 : index
    %swap3A_126 = arith.constant 0 : index
    %swap3A_127 = vector.load %arg16[%swap3A_125, %swap3A_126] : memref<8x128xf32, #tpu.memory_space<vmem>>, vector<1x1xf32>
    tpu.vector_store %arg16[%swap3A_125, %swap3A_126], %add3A_118 {strides = array<i32>} : memref<8x128xf32, #tpu.memory_space<vmem>>, vector<1x1xf32>,
    %swap3A_128 = arith.constant 0 : index
    %swap3A_129 = arith.constant 0 : index
    %swap3A_130 = vector.load %arg13[%swap3A_128, %swap3A_129] : memref<1x8xf32, #tpu.memory_space<vmem>>, vector<1x8xf32>
    tpu.vector_store %arg13[%swap3A_128, %swap3A_129], %add3A_100 {strides = array<i32>} : memref<1x8xf32, #tpu.memory_space<vmem>>, vector<1x8xf32>,
    %swap3A_131 = arith.constant 0 : index
    %swap3A_132 = arith.constant 0 : index
    %swap3A_133 = vector.load %arg14[%swap3A_131, %swap3A_132] : memref<1x8xf32, #tpu.memory_space<vmem>>, vector<1x8xf32>
    tpu.vector_store %arg14[%swap3A_131, %swap3A_132], %add3A_107 {strides = array<i32>} : memref<1x8xf32, #tpu.memory_space<vmem>>, vector<1x8xf32>,
    %swap3A_134 = arith.constant 0 : index
    %swap3A_135 = arith.constant 0 : index
    %swap3A_136 = vector.load %arg15[%swap3A_134, %swap3A_135] : memref<1x1xf32, #tpu.memory_space<vmem>>, vector<1x1xf32>
    tpu.vector_store %arg15[%swap3A_134, %swap3A_135], %add3A_118 {strides = array<i32>} : memref<1x1xf32, #tpu.memory_space<vmem>>, vector<1x1xf32>,
    return
  }
  func.func @transform_0(%arg0: i32) -> (i32, i32) {
    %c0_i32 = arith.constant 0 : i32
    %c0_i32_0 = arith.constant 0 : i32
    return %arg0, %c0_i32 : i32, i32
  }
  func.func @transform_1(%arg0: i32) -> (i32, i32) {
    %c0_i32 = arith.constant 0 : i32
    %c0_i32_0 = arith.constant 0 : i32
    %c0_i32_1 = arith.constant 0 : i32
    return %c0_i32, %c0_i32_0 : i32, i32
  }
  func.func @transform_2(%arg0: i32) -> (i32, i32) {
    %c0_i32 = arith.constant 0 : i32
    %c0_i32_0 = arith.constant 0 : i32
    return %arg0, %c0_i32 : i32, i32
  }
  func.func @transform_3(%arg0: i32) -> (i32, i32) {
    %c0_i32 = arith.constant 0 : i32
    %c0_i32_0 = arith.constant 0 : i32
    %c0_i32_1 = arith.constant 0 : i32
    return %c0_i32, %c0_i32_0 : i32, i32
  }
  func.func @transform_4(%arg0: i32) -> (i32, i32) {
    %c0_i32 = arith.constant 0 : i32
    %c0_i32_0 = arith.constant 0 : i32
    %c0_i32_1 = arith.constant 0 : i32
    return %c0_i32, %c0_i32_0 : i32, i32
  }
  func.func @transform_5(%arg0: i32) -> (i32, i32) {
    %c0_i32 = arith.constant 0 : i32
    %c0_i32_0 = arith.constant 0 : i32
    return %arg0, %c0_i32 : i32, i32
  }
  func.func @transform_6(%arg0: i32) -> (i32, i32) {
    %c0_i32 = arith.constant 0 : i32
    %c0_i32_0 = arith.constant 0 : i32
    return %arg0, %c0_i32 : i32, i32
  }
  func.func @transform_7(%arg0: i32) -> (i32, i32) {
    %c0_i32 = arith.constant 0 : i32
    %c0_i32_0 = arith.constant 0 : i32
    return %arg0, %c0_i32 : i32, i32
  }
  func.func @transform_8(%arg0: i32) -> (i32, i32) {
    %c0_i32 = arith.constant 0 : i32
    %c0_i32_0 = arith.constant 0 : i32
    return %arg0, %c0_i32 : i32, i32
  }
  func.func @transform_9(%arg0: i32) -> (i32, i32) {
    %c0_i32 = arith.constant 0 : i32
    %c0_i32_0 = arith.constant 0 : i32
    return %arg0, %c0_i32 : i32, i32
  }
  func.func @transform_10(%arg0: i32) -> (i32, i32) {
    %c0_i32 = arith.constant 0 : i32
    %c0_i32_0 = arith.constant 0 : i32
    return %arg0, %c0_i32 : i32, i32
  }
  func.func @transform_11(%arg0: i32) -> (i32, i32) {
    %c0_i32 = arith.constant 0 : i32
    %c0_i32_0 = arith.constant 0 : i32
    return %arg0, %c0_i32 : i32, i32
  }
  func.func @transform_12(%arg0: i32) -> (i32, i32) {
    %c0_i32 = arith.constant 0 : i32
    %c0_i32_0 = arith.constant 0 : i32
    %c0_i32_1 = arith.constant 0 : i32
    return %c0_i32, %c0_i32_0 : i32, i32
  }
  func.func @transform_13(%arg0: i32) -> (i32, i32) {
    %c0_i32 = arith.constant 0 : i32
    %c0_i32_0 = arith.constant 0 : i32
    %c0_i32_1 = arith.constant 0 : i32
    return %c0_i32, %c0_i32_0 : i32, i32
  }
  func.func @transform_14(%arg0: i32) -> (i32, i32) {
    %c0_i32 = arith.constant 0 : i32
    %c0_i32_0 = arith.constant 0 : i32
    %c0_i32_1 = arith.constant 0 : i32
    return %c0_i32, %c0_i32_0 : i32, i32
  }
}

module attributes {stable_mosaic.version = 14 : i64} {
  func.func @_cast_body(%arg0: i32, %arg1: memref<1x768x1536xf32, #tpu.memory_space<vmem>>, %arg2: memref<1x1536x768xf32, #tpu.memory_space<vmem>>, %arg3: memref<1x768x1536xbf16, #tpu.memory_space<vmem>>, %arg4: memref<1x1536x768xbf16, #tpu.memory_space<vmem>>) attributes {dimension_semantics = [#tpu.dimension_semantics<arbitrary>], iteration_bounds = array<i64: 8>, scalar_prefetch = 0 : i64, scratch_operands = 0 : i64, tpu.core_type = #tpu.core_type<tc>, window_params = [{transform_indices = @transform_0, window_bounds = array<i64: 1, 768, 1536>}, {transform_indices = @transform_1, window_bounds = array<i64: 1, 1536, 768>}, {transform_indices = @transform_2, window_bounds = array<i64: 1, 768, 1536>}, {transform_indices = @transform_3, window_bounds = array<i64: 1, 1536, 768>}]} {
    %get3A = arith.constant 0 : index
    %get3A_0 = arith.constant 0 : index
    %get3A_1 = arith.constant 0 : index
    %get3A_2 = vector.load %arg1[%get3A, %get3A_0, %get3A_1] : memref<1x768x1536xf32, #tpu.memory_space<vmem>>, vector<1x768x1536xf32>
    %get3A_3 = vector.shape_cast %get3A_2 : vector<1x768x1536xf32> to vector<768x1536xf32>
    %convert_element_type3A = arith.truncf %get3A_3 : vector<768x1536xf32> to vector<768x1536xbf16>
    %swap3A = arith.constant 0 : index
    %swap3A_4 = arith.constant 0 : index
    %swap3A_5 = arith.constant 0 : index
    %swap3A_6 = vector.load %arg3[%swap3A, %swap3A_4, %swap3A_5] : memref<1x768x1536xbf16, #tpu.memory_space<vmem>>, vector<1x768x1536xbf16>
    %swap3A_7 = vector.shape_cast %swap3A_6 : vector<1x768x1536xbf16> to vector<768x1536xbf16>
    %swap3A_8 = vector.shape_cast %convert_element_type3A : vector<768x1536xbf16> to vector<1x768x1536xbf16>
    tpu.vector_store %arg3[%swap3A, %swap3A_4, %swap3A_5], %swap3A_8 {strides = array<i32>} : memref<1x768x1536xbf16, #tpu.memory_space<vmem>>, vector<1x768x1536xbf16>,
    %get3A_9 = arith.constant 0 : index
    %get3A_10 = arith.constant 0 : index
    %get3A_11 = arith.constant 0 : index
    %get3A_12 = vector.load %arg2[%get3A_9, %get3A_10, %get3A_11] : memref<1x1536x768xf32, #tpu.memory_space<vmem>>, vector<1x1536x768xf32>
    %get3A_13 = vector.shape_cast %get3A_12 : vector<1x1536x768xf32> to vector<1536x768xf32>
    %convert_element_type3A_14 = arith.truncf %get3A_13 : vector<1536x768xf32> to vector<1536x768xbf16>
    %swap3A_15 = arith.constant 0 : index
    %swap3A_16 = arith.constant 0 : index
    %swap3A_17 = arith.constant 0 : index
    %swap3A_18 = vector.load %arg4[%swap3A_15, %swap3A_16, %swap3A_17] : memref<1x1536x768xbf16, #tpu.memory_space<vmem>>, vector<1x1536x768xbf16>
    %swap3A_19 = vector.shape_cast %swap3A_18 : vector<1x1536x768xbf16> to vector<1536x768xbf16>
    %swap3A_20 = vector.shape_cast %convert_element_type3A_14 : vector<1536x768xbf16> to vector<1x1536x768xbf16>
    tpu.vector_store %arg4[%swap3A_15, %swap3A_16, %swap3A_17], %swap3A_20 {strides = array<i32>} : memref<1x1536x768xbf16, #tpu.memory_space<vmem>>, vector<1x1536x768xbf16>,
    return
  }
  func.func @transform_0(%arg0: i32) -> (i32, i32, i32) {
    %c0_i32 = arith.constant 0 : i32
    %c0_i32_0 = arith.constant 0 : i32
    %c0_i32_1 = arith.constant 0 : i32
    return %arg0, %c0_i32, %c0_i32_0 : i32, i32, i32
  }
  func.func @transform_1(%arg0: i32) -> (i32, i32, i32) {
    %c0_i32 = arith.constant 0 : i32
    %c0_i32_0 = arith.constant 0 : i32
    %c0_i32_1 = arith.constant 0 : i32
    return %arg0, %c0_i32, %c0_i32_0 : i32, i32, i32
  }
  func.func @transform_2(%arg0: i32) -> (i32, i32, i32) {
    %c0_i32 = arith.constant 0 : i32
    %c0_i32_0 = arith.constant 0 : i32
    %c0_i32_1 = arith.constant 0 : i32
    return %arg0, %c0_i32, %c0_i32_0 : i32, i32, i32
  }
  func.func @transform_3(%arg0: i32) -> (i32, i32, i32) {
    %c0_i32 = arith.constant 0 : i32
    %c0_i32_0 = arith.constant 0 : i32
    %c0_i32_1 = arith.constant 0 : i32
    return %arg0, %c0_i32, %c0_i32_0 : i32, i32, i32
  }
}

module attributes {stable_mosaic.version = 14 : i64} {
  func.func @_ffn_body(%arg0: i32, %arg1: memref<36xi32, #tpu.memory_space<smem>>, %arg2: memref<256x768xf32, #tpu.memory_space<vmem>>, %arg3: memref<256x128xf32, #tpu.memory_space<vmem>>, %arg4: memref<1x768x1536xbf16, #tpu.memory_space<vmem>>, %arg5: memref<1x1x1536xf32, #tpu.memory_space<vmem>>, %arg6: memref<1x1536x768xbf16, #tpu.memory_space<vmem>>, %arg7: memref<1x1x768xf32, #tpu.memory_space<vmem>>, %arg8: memref<256x768xf32, #tpu.memory_space<vmem>>) attributes {dimension_semantics = [#tpu.dimension_semantics<arbitrary>], iteration_bounds = array<i64: 36>, scalar_prefetch = 1 : i64, scratch_operands = 0 : i64, tpu.core_type = #tpu.core_type<tc>, window_params = [{transform_indices = @transform_0, window_bounds = array<i64: 256, 768>}, {transform_indices = @transform_1, window_bounds = array<i64: 256, 128>}, {transform_indices = @transform_2, window_bounds = array<i64: 1, 768, 1536>}, {transform_indices = @transform_3, window_bounds = array<i64: 1, 1, 1536>}, {transform_indices = @transform_4, window_bounds = array<i64: 1, 1536, 768>}, {transform_indices = @transform_5, window_bounds = array<i64: 1, 1, 768>}, {transform_indices = @transform_6, window_bounds = array<i64: 256, 768>}]} {
    %get3A = arith.constant 0 : index
    %get3A_0 = arith.constant 0 : index
    %get3A_1 = vector.load %arg2[%get3A, %get3A_0] : memref<256x768xf32, #tpu.memory_space<vmem>>, vector<256x768xf32>
    %convert_element_type3A = arith.truncf %get3A_1 : vector<256x768xf32> to vector<256x768xbf16>
    %get3A_2 = arith.constant 0 : index
    %get3A_3 = arith.constant 0 : index
    %get3A_4 = arith.constant 0 : index
    %get3A_5 = vector.load %arg4[%get3A_2, %get3A_3, %get3A_4] : memref<1x768x1536xbf16, #tpu.memory_space<vmem>>, vector<1x768x1536xbf16>
    %get3A_6 = vector.shape_cast %get3A_5 : vector<1x768x1536xbf16> to vector<768x1536xbf16>
    %dot_general3A = arith.constant dense<0.000000e+00> : vector<256x1536xf32>
    %dot_general3A_7 = tpu.matmul %convert_element_type3A, %get3A_6, %dot_general3A {dimension_numbers = #tpu.dot_dimension_numbers<[1], [0], [0], [1], [0, 0, 1, 1], [], []>, transpose_lhs_hint = false} : vector<256x768xbf16>, vector<768x1536xbf16>, vector<256x1536xf32> -> vector<256x1536xf32>
    %get3A_8 = arith.constant 0 : index
    %get3A_9 = arith.constant 0 : index
    %get3A_10 = arith.constant 0 : index
    %get3A_11 = vector.load %arg5[%get3A_8, %get3A_9, %get3A_10] : memref<1x1x1536xf32, #tpu.memory_space<vmem>>, vector<1x1x1536xf32>
    %get3A_12 = vector.shape_cast %get3A_11 : vector<1x1x1536xf32> to vector<1x1536xf32>
    %add3A = vector.broadcast %get3A_12 : vector<1x1536xf32> to vector<256x1536xf32>
    %add3A_13 = arith.addf %dot_general3A_7, %add3A : vector<256x1536xf32>
    %mul3A = arith.constant 5.000000e-01 : f32
    %mul3A_14 = vector.broadcast %mul3A : f32 to vector<256x1536xf32>
    %mul3A_15 = arith.mulf %add3A_13, %mul3A_14 : vector<256x1536xf32>
    %mul3A_16 = arith.constant 0.707106769 : f32
    %mul3A_17 = vector.broadcast %mul3A_16 : f32 to vector<256x1536xf32>
    %mul3A_18 = arith.mulf %add3A_13, %mul3A_17 : vector<256x1536xf32>
    %erf3A = math.erf %mul3A_18 : vector<256x1536xf32>
    %add3A_19 = arith.constant 1.000000e+00 : f32
    %add3A_20 = vector.broadcast %add3A_19 : f32 to vector<256x1536xf32>
    %add3A_21 = arith.addf %add3A_20, %erf3A : vector<256x1536xf32>
    %mul3A_22 = arith.mulf %mul3A_15, %add3A_21 : vector<256x1536xf32>
    %convert_element_type3A_23 = arith.truncf %mul3A_22 : vector<256x1536xf32> to vector<256x1536xbf16>
    %get3A_24 = arith.constant 0 : index
    %get3A_25 = arith.constant 0 : index
    %get3A_26 = arith.constant 0 : index
    %get3A_27 = vector.load %arg6[%get3A_24, %get3A_25, %get3A_26] : memref<1x1536x768xbf16, #tpu.memory_space<vmem>>, vector<1x1536x768xbf16>
    %get3A_28 = vector.shape_cast %get3A_27 : vector<1x1536x768xbf16> to vector<1536x768xbf16>
    %dot_general3A_29 = arith.constant dense<0.000000e+00> : vector<256x768xf32>
    %dot_general3A_30 = tpu.matmul %convert_element_type3A_23, %get3A_28, %dot_general3A_29 {dimension_numbers = #tpu.dot_dimension_numbers<[1], [0], [0], [1], [0, 0, 1, 1], [], []>, transpose_lhs_hint = false} : vector<256x1536xbf16>, vector<1536x768xbf16>, vector<256x768xf32> -> vector<256x768xf32>
    %get3A_31 = arith.constant 0 : index
    %get3A_32 = arith.constant 0 : index
    %get3A_33 = arith.constant 0 : index
    %get3A_34 = vector.load %arg7[%get3A_31, %get3A_32, %get3A_33] : memref<1x1x768xf32, #tpu.memory_space<vmem>>, vector<1x1x768xf32>
    %get3A_35 = vector.shape_cast %get3A_34 : vector<1x1x768xf32> to vector<1x768xf32>
    %add3A_36 = vector.broadcast %get3A_35 : vector<1x768xf32> to vector<256x768xf32>
    %add3A_37 = arith.addf %dot_general3A_30, %add3A_36 : vector<256x768xf32>
    %get3A_38 = arith.constant 0 : index
    %get3A_39 = arith.constant 0 : index
    %get3A_40 = vector.load %arg3[%get3A_38, %get3A_39] : memref<256x128xf32, #tpu.memory_space<vmem>>, vector<256x1xf32>
    %mul3A_41 = vector.broadcast %get3A_40 : vector<256x1xf32> to vector<256x768xf32>
    %mul3A_42 = arith.mulf %add3A_37, %mul3A_41 : vector<256x768xf32>
    %swap3A = arith.constant 0 : index
    %swap3A_43 = arith.constant 0 : index
    %swap3A_44 = vector.load %arg8[%swap3A, %swap3A_43] : memref<256x768xf32, #tpu.memory_space<vmem>>, vector<256x768xf32>
    tpu.vector_store %arg8[%swap3A, %swap3A_43], %mul3A_42 {strides = array<i32>} : memref<256x768xf32, #tpu.memory_space<vmem>>, vector<256x768xf32>,
    return
  }
  func.func @transform_0(%arg0: i32, %arg1: memref<36xi32, #tpu.memory_space<smem>>) -> (i32, i32) {
    %c0_i32 = arith.constant 0 : i32
    %c0_i32_0 = arith.constant 0 : i32
    return %arg0, %c0_i32 : i32, i32
  }
  func.func @transform_1(%arg0: i32, %arg1: memref<36xi32, #tpu.memory_space<smem>>) -> (i32, i32) {
    %c0_i32 = arith.constant 0 : i32
    %c0_i32_0 = arith.constant 0 : i32
    return %arg0, %c0_i32 : i32, i32
  }
  func.func @transform_2(%arg0: i32, %arg1: memref<36xi32, #tpu.memory_space<smem>>) -> (i32, i32, i32) {
    %get3A = arith.index_cast %arg0 : i32 to index
    %get3A_0 = memref.load %arg1[%get3A] : memref<36xi32, #tpu.memory_space<smem>>
    %c0_i32 = arith.constant 0 : i32
    %c0_i32_1 = arith.constant 0 : i32
    %c0_i32_2 = arith.constant 0 : i32
    return %get3A_0, %c0_i32, %c0_i32_1 : i32, i32, i32
  }
  func.func @transform_3(%arg0: i32, %arg1: memref<36xi32, #tpu.memory_space<smem>>) -> (i32, i32, i32) {
    %get3A = arith.index_cast %arg0 : i32 to index
    %get3A_0 = memref.load %arg1[%get3A] : memref<36xi32, #tpu.memory_space<smem>>
    %c0_i32 = arith.constant 0 : i32
    %c0_i32_1 = arith.constant 0 : i32
    %c0_i32_2 = arith.constant 0 : i32
    return %get3A_0, %c0_i32, %c0_i32_1 : i32, i32, i32
  }
  func.func @transform_4(%arg0: i32, %arg1: memref<36xi32, #tpu.memory_space<smem>>) -> (i32, i32, i32) {
    %get3A = arith.index_cast %arg0 : i32 to index
    %get3A_0 = memref.load %arg1[%get3A] : memref<36xi32, #tpu.memory_space<smem>>
    %c0_i32 = arith.constant 0 : i32
    %c0_i32_1 = arith.constant 0 : i32
    %c0_i32_2 = arith.constant 0 : i32
    return %get3A_0, %c0_i32, %c0_i32_1 : i32, i32, i32
  }
  func.func @transform_5(%arg0: i32, %arg1: memref<36xi32, #tpu.memory_space<smem>>) -> (i32, i32, i32) {
    %get3A = arith.index_cast %arg0 : i32 to index
    %get3A_0 = memref.load %arg1[%get3A] : memref<36xi32, #tpu.memory_space<smem>>
    %c0_i32 = arith.constant 0 : i32
    %c0_i32_1 = arith.constant 0 : i32
    %c0_i32_2 = arith.constant 0 : i32
    return %get3A_0, %c0_i32, %c0_i32_1 : i32, i32, i32
  }
  func.func @transform_6(%arg0: i32, %arg1: memref<36xi32, #tpu.memory_space<smem>>) -> (i32, i32) {
    %c0_i32 = arith.constant 0 : i32
    %c0_i32_0 = arith.constant 0 : i32
    return %arg0, %c0_i32 : i32, i32
  }
}

module attributes {stable_mosaic.version = 14 : i64} {
  func.func @_head_body(%arg0: i32, %arg1: memref<448x768xf32, #tpu.memory_space<vmem>>, %arg2: memref<448x768xf32, #tpu.memory_space<vmem>>, %arg3: memref<8x768x96xf32, #tpu.memory_space<vmem>>, %arg4: memref<1x96xf32, #tpu.memory_space<vmem>>, %arg5: memref<56x96xf32, #tpu.memory_space<vmem>>) attributes {dimension_semantics = [#tpu.dimension_semantics<arbitrary>], iteration_bounds = array<i64: 8>, scalar_prefetch = 0 : i64, scratch_operands = 0 : i64, tpu.core_type = #tpu.core_type<tc>, window_params = [{transform_indices = @transform_0, window_bounds = array<i64: 448, 768>}, {transform_indices = @transform_1, window_bounds = array<i64: 448, 768>}, {transform_indices = @transform_2, window_bounds = array<i64: 8, 768, 96>}, {pipeline_mode = #tpu.pipeline_mode<synchronous>, transform_indices = @transform_3, window_bounds = array<i64: 1, 96>}, {pipeline_mode = #tpu.pipeline_mode<synchronous>, transform_indices = @transform_4, window_bounds = array<i64: 56, 96>}]} {
    %eq3A = arith.constant 0 : i32
    %eq3A_0 = arith.cmpi eq, %arg0, %eq3A : i32
    %convert_element_type3A = arith.extui %eq3A_0 : i1 to i32
    %cond3A = arith.constant 0 : i32
    %cond3A_1 = arith.cmpi ne, %convert_element_type3A, %cond3A : i32
    scf.if %cond3A_1 {
      %get3A_82 = arith.constant 0 : index
      %get3A_83 = arith.constant 0 : index
      %get3A_84 = vector.load %arg4[%get3A_82, %get3A_83] : memref<1x96xf32, #tpu.memory_space<vmem>>, vector<1x96xf32>
      %broadcast_in_dim3A = vector.shape_cast %get3A_84 : vector<1x96xf32> to vector<1x96xf32>
      %broadcast_in_dim3A_85 = vector.broadcast %broadcast_in_dim3A : vector<1x96xf32> to vector<56x96xf32>
      %swap3A_86 = arith.constant 0 : index
      %swap3A_87 = arith.constant 0 : index
      %swap3A_88 = vector.load %arg5[%swap3A_86, %swap3A_87] : memref<56x96xf32, #tpu.memory_space<vmem>>, vector<56x96xf32>
      tpu.vector_store %arg5[%swap3A_86, %swap3A_87], %broadcast_in_dim3A_85 {strides = array<i32>} : memref<56x96xf32, #tpu.memory_space<vmem>>, vector<56x96xf32>,
    } else {
    }
    %get3A = arith.constant 0 : index
    %get3A_2 = arith.constant 0 : index
    %get3A_3 = vector.load %arg1[%get3A, %get3A_2] : memref<448x768xf32, #tpu.memory_space<vmem>>, vector<448x768xf32>
    %get3A_4 = arith.constant 0 : index
    %get3A_5 = arith.constant 0 : index
    %get3A_6 = vector.load %arg2[%get3A_4, %get3A_5] : memref<448x768xf32, #tpu.memory_space<vmem>>, vector<448x768xf32>
    %add3A = arith.addf %get3A_3, %get3A_6 : vector<448x768xf32>
    %get3A_7 = arith.constant 0 : index
    %get3A_8 = arith.constant 0 : index
    %get3A_9 = vector.load %arg5[%get3A_7, %get3A_8] : memref<56x96xf32, #tpu.memory_space<vmem>>, vector<56x96xf32>
    %slice3A = vector.extract_strided_slice %add3A {offsets = [0, 0], sizes = [56, 768], strides = [1, 1]} : vector<448x768xf32> to vector<56x768xf32>
    %get3A_10 = arith.constant 0 : index
    %get3A_11 = arith.constant 0 : index
    %get3A_12 = arith.constant 0 : index
    %get3A_13 = vector.load %arg3[%get3A_10, %get3A_11, %get3A_12] : memref<8x768x96xf32, #tpu.memory_space<vmem>>, vector<1x768x96xf32>
    %get3A_14 = vector.shape_cast %get3A_13 : vector<1x768x96xf32> to vector<768x96xf32>
    %dot_general3A = arith.constant dense<0.000000e+00> : vector<56x96xf32>
    %dot_general3A_15 = tpu.matmul %slice3A, %get3A_14, %dot_general3A {dimension_numbers = #tpu.dot_dimension_numbers<[1], [0], [0], [1], [0, 0, 1, 1], [], []>, transpose_lhs_hint = false} : vector<56x768xf32>, vector<768x96xf32>, vector<56x96xf32> -> vector<56x96xf32>
    %add3A_16 = arith.addf %get3A_9, %dot_general3A_15 : vector<56x96xf32>
    %slice3A_17 = vector.extract_strided_slice %add3A {offsets = [56, 0], sizes = [56, 768], strides = [1, 1]} : vector<448x768xf32> to vector<56x768xf32>
    %get3A_18 = arith.constant 1 : index
    %get3A_19 = arith.constant 0 : index
    %get3A_20 = arith.constant 0 : index
    %get3A_21 = vector.load %arg3[%get3A_18, %get3A_19, %get3A_20] : memref<8x768x96xf32, #tpu.memory_space<vmem>>, vector<1x768x96xf32>
    %get3A_22 = vector.shape_cast %get3A_21 : vector<1x768x96xf32> to vector<768x96xf32>
    %dot_general3A_23 = arith.constant dense<0.000000e+00> : vector<56x96xf32>
    %dot_general3A_24 = tpu.matmul %slice3A_17, %get3A_22, %dot_general3A_23 {dimension_numbers = #tpu.dot_dimension_numbers<[1], [0], [0], [1], [0, 0, 1, 1], [], []>, transpose_lhs_hint = false} : vector<56x768xf32>, vector<768x96xf32>, vector<56x96xf32> -> vector<56x96xf32>
    %add3A_25 = arith.addf %add3A_16, %dot_general3A_24 : vector<56x96xf32>
    %slice3A_26 = vector.extract_strided_slice %add3A {offsets = [112, 0], sizes = [56, 768], strides = [1, 1]} : vector<448x768xf32> to vector<56x768xf32>
    %get3A_27 = arith.constant 2 : index
    %get3A_28 = arith.constant 0 : index
    %get3A_29 = arith.constant 0 : index
    %get3A_30 = vector.load %arg3[%get3A_27, %get3A_28, %get3A_29] : memref<8x768x96xf32, #tpu.memory_space<vmem>>, vector<1x768x96xf32>
    %get3A_31 = vector.shape_cast %get3A_30 : vector<1x768x96xf32> to vector<768x96xf32>
    %dot_general3A_32 = arith.constant dense<0.000000e+00> : vector<56x96xf32>
    %dot_general3A_33 = tpu.matmul %slice3A_26, %get3A_31, %dot_general3A_32 {dimension_numbers = #tpu.dot_dimension_numbers<[1], [0], [0], [1], [0, 0, 1, 1], [], []>, transpose_lhs_hint = false} : vector<56x768xf32>, vector<768x96xf32>, vector<56x96xf32> -> vector<56x96xf32>
    %add3A_34 = arith.addf %add3A_25, %dot_general3A_33 : vector<56x96xf32>
    %slice3A_35 = vector.extract_strided_slice %add3A {offsets = [168, 0], sizes = [56, 768], strides = [1, 1]} : vector<448x768xf32> to vector<56x768xf32>
    %get3A_36 = arith.constant 3 : index
    %get3A_37 = arith.constant 0 : index
    %get3A_38 = arith.constant 0 : index
    %get3A_39 = vector.load %arg3[%get3A_36, %get3A_37, %get3A_38] : memref<8x768x96xf32, #tpu.memory_space<vmem>>, vector<1x768x96xf32>
    %get3A_40 = vector.shape_cast %get3A_39 : vector<1x768x96xf32> to vector<768x96xf32>
    %dot_general3A_41 = arith.constant dense<0.000000e+00> : vector<56x96xf32>
    %dot_general3A_42 = tpu.matmul %slice3A_35, %get3A_40, %dot_general3A_41 {dimension_numbers = #tpu.dot_dimension_numbers<[1], [0], [0], [1], [0, 0, 1, 1], [], []>, transpose_lhs_hint = false} : vector<56x768xf32>, vector<768x96xf32>, vector<56x96xf32> -> vector<56x96xf32>
    %add3A_43 = arith.addf %add3A_34, %dot_general3A_42 : vector<56x96xf32>
    %slice3A_44 = vector.extract_strided_slice %add3A {offsets = [224, 0], sizes = [56, 768], strides = [1, 1]} : vector<448x768xf32> to vector<56x768xf32>
    %get3A_45 = arith.constant 4 : index
    %get3A_46 = arith.constant 0 : index
    %get3A_47 = arith.constant 0 : index
    %get3A_48 = vector.load %arg3[%get3A_45, %get3A_46, %get3A_47] : memref<8x768x96xf32, #tpu.memory_space<vmem>>, vector<1x768x96xf32>
    %get3A_49 = vector.shape_cast %get3A_48 : vector<1x768x96xf32> to vector<768x96xf32>
    %dot_general3A_50 = arith.constant dense<0.000000e+00> : vector<56x96xf32>
    %dot_general3A_51 = tpu.matmul %slice3A_44, %get3A_49, %dot_general3A_50 {dimension_numbers = #tpu.dot_dimension_numbers<[1], [0], [0], [1], [0, 0, 1, 1], [], []>, transpose_lhs_hint = false} : vector<56x768xf32>, vector<768x96xf32>, vector<56x96xf32> -> vector<56x96xf32>
    %add3A_52 = arith.addf %add3A_43, %dot_general3A_51 : vector<56x96xf32>
    %slice3A_53 = vector.extract_strided_slice %add3A {offsets = [280, 0], sizes = [56, 768], strides = [1, 1]} : vector<448x768xf32> to vector<56x768xf32>
    %get3A_54 = arith.constant 5 : index
    %get3A_55 = arith.constant 0 : index
    %get3A_56 = arith.constant 0 : index
    %get3A_57 = vector.load %arg3[%get3A_54, %get3A_55, %get3A_56] : memref<8x768x96xf32, #tpu.memory_space<vmem>>, vector<1x768x96xf32>
    %get3A_58 = vector.shape_cast %get3A_57 : vector<1x768x96xf32> to vector<768x96xf32>
    %dot_general3A_59 = arith.constant dense<0.000000e+00> : vector<56x96xf32>
    %dot_general3A_60 = tpu.matmul %slice3A_53, %get3A_58, %dot_general3A_59 {dimension_numbers = #tpu.dot_dimension_numbers<[1], [0], [0], [1], [0, 0, 1, 1], [], []>, transpose_lhs_hint = false} : vector<56x768xf32>, vector<768x96xf32>, vector<56x96xf32> -> vector<56x96xf32>
    %add3A_61 = arith.addf %add3A_52, %dot_general3A_60 : vector<56x96xf32>
    %slice3A_62 = vector.extract_strided_slice %add3A {offsets = [336, 0], sizes = [56, 768], strides = [1, 1]} : vector<448x768xf32> to vector<56x768xf32>
    %get3A_63 = arith.constant 6 : index
    %get3A_64 = arith.constant 0 : index
    %get3A_65 = arith.constant 0 : index
    %get3A_66 = vector.load %arg3[%get3A_63, %get3A_64, %get3A_65] : memref<8x768x96xf32, #tpu.memory_space<vmem>>, vector<1x768x96xf32>
    %get3A_67 = vector.shape_cast %get3A_66 : vector<1x768x96xf32> to vector<768x96xf32>
    %dot_general3A_68 = arith.constant dense<0.000000e+00> : vector<56x96xf32>
    %dot_general3A_69 = tpu.matmul %slice3A_62, %get3A_67, %dot_general3A_68 {dimension_numbers = #tpu.dot_dimension_numbers<[1], [0], [0], [1], [0, 0, 1, 1], [], []>, transpose_lhs_hint = false} : vector<56x768xf32>, vector<768x96xf32>, vector<56x96xf32> -> vector<56x96xf32>
    %add3A_70 = arith.addf %add3A_61, %dot_general3A_69 : vector<56x96xf32>
    %slice3A_71 = vector.extract_strided_slice %add3A {offsets = [392, 0], sizes = [56, 768], strides = [1, 1]} : vector<448x768xf32> to vector<56x768xf32>
    %get3A_72 = arith.constant 7 : index
    %get3A_73 = arith.constant 0 : index
    %get3A_74 = arith.constant 0 : index
    %get3A_75 = vector.load %arg3[%get3A_72, %get3A_73, %get3A_74] : memref<8x768x96xf32, #tpu.memory_space<vmem>>, vector<1x768x96xf32>
    %get3A_76 = vector.shape_cast %get3A_75 : vector<1x768x96xf32> to vector<768x96xf32>
    %dot_general3A_77 = arith.constant dense<0.000000e+00> : vector<56x96xf32>
    %dot_general3A_78 = tpu.matmul %slice3A_71, %get3A_76, %dot_general3A_77 {dimension_numbers = #tpu.dot_dimension_numbers<[1], [0], [0], [1], [0, 0, 1, 1], [], []>, transpose_lhs_hint = false} : vector<56x768xf32>, vector<768x96xf32>, vector<56x96xf32> -> vector<56x96xf32>
    %add3A_79 = arith.addf %add3A_70, %dot_general3A_78 : vector<56x96xf32>
    %swap3A = arith.constant 0 : index
    %swap3A_80 = arith.constant 0 : index
    %swap3A_81 = vector.load %arg5[%swap3A, %swap3A_80] : memref<56x96xf32, #tpu.memory_space<vmem>>, vector<56x96xf32>
    tpu.vector_store %arg5[%swap3A, %swap3A_80], %add3A_79 {strides = array<i32>} : memref<56x96xf32, #tpu.memory_space<vmem>>, vector<56x96xf32>,
    return
  }
  func.func @transform_0(%arg0: i32) -> (i32, i32) {
    %c0_i32 = arith.constant 0 : i32
    %c0_i32_0 = arith.constant 0 : i32
    return %arg0, %c0_i32 : i32, i32
  }
  func.func @transform_1(%arg0: i32) -> (i32, i32) {
    %c0_i32 = arith.constant 0 : i32
    %c0_i32_0 = arith.constant 0 : i32
    return %arg0, %c0_i32 : i32, i32
  }
  func.func @transform_2(%arg0: i32) -> (i32, i32, i32) {
    %c0_i32 = arith.constant 0 : i32
    %c0_i32_0 = arith.constant 0 : i32
    %c0_i32_1 = arith.constant 0 : i32
    return %arg0, %c0_i32, %c0_i32_0 : i32, i32, i32
  }
  func.func @transform_3(%arg0: i32) -> (i32, i32) {
    %c0_i32 = arith.constant 0 : i32
    %c0_i32_0 = arith.constant 0 : i32
    %c0_i32_1 = arith.constant 0 : i32
    return %c0_i32, %c0_i32_0 : i32, i32
  }
  func.func @transform_4(%arg0: i32) -> (i32, i32) {
    %c0_i32 = arith.constant 0 : i32
    %c0_i32_0 = arith.constant 0 : i32
    %c0_i32_1 = arith.constant 0 : i32
    return %c0_i32, %c0_i32_0 : i32, i32
  }
}

</mosaic_0001>

<sc_bundles>
// kernel: kernel.12.cloned.1.call-start
scs
__scs_entry_jumppad:
0x0: {  	(pc) =	sbr.rel $0x88, $3  }
0x1: {  	(tag) =	ssettag $0x0;
	lr =	simm.s32 $0x1  }
0x2: {  	[smem:$0x3F98] =	sst lr;
	_ =	strace $0xD0000000  }
0x3: {  	_ = 	snop  }
0x4: {  	_ = 	snop  }
0x5: {  	_ = 	snop  }
0x6: {  	_ = 	snop  }
0x7: {  	_ = 	snop  }
__scs_overlays_trampoline_lowered:
0x8: {  	[smem:$0x3FA7] =	sst s0  }
0x9: {  	[smem:$0x3FA8] =	sst s1  }
0xa: {  	[smem:$0x3FA9] =	sst s2  }
0xb: {  	[smem:$0x3FAA] =	sst s3  }
0xc: {  	[smem:$0x3FAB] =	sst s4  }
0xd: {  	[smem:$0x3FAC] =	sst s5  }
0xe: {  	[smem:$0x3FAD] =	sst s6  }
0xf: {  	[smem:$0x3FAE] =	sst s7  }
0x10: {  	[smem:$0x3FAF] =	sst s8  }
0x11: {  	[smem:$0x3FB0] =	sst s9;
	s0 =	simm.s32 @!p0 $0x0  }
0x12: {  	s1 =	sld [smem:$0x3F96];
	s0 =	simm.s32 @p0 $0x1  }
0x13: {  	[smem:$0x3FB1] =	sst s0;
	s0 =	simm.s32 @!p1 $0x0  }
0x14: {  	s2 =	sld [smem:$0x3F95];
	s0 =	simm.s32 @p1 $0x1  }
0x15: {  	[smem:$0x3FB2] =	sst s0;
	s0 =	simm.s32 @!p2 $0x0  }
0x16: {  	s3 =	sld [smem:$0x3FDB];
	s0 =	simm.s32 @p2 $0x1  }
0x17: {  	s4 =	simm.s32 $0x1BF5;
	[smem:$0x3FB4] =	sst s0  }
0x18: {  	s0 =	sld [smem:$0x3F97];
	_ =	swait.ge [sflag:s4], $0x0  }
0x19: {  	s7 =	sld [smem:$0x3F98]  }
0x1a: {  	s8 =	sadd.s32 $0xFFFFE003, lr  }
0x1b: {  	s9 =	sadd.s32 $0xFFFFFEF7, lr;
	s5 =	simm.s32 $0xFFFFFFFF;
	p2 =	slt.u32 s8, $0xFFFFF086  }
0x1c: {  	p1 =	slt.u32 s9, $0xF7A;
	s5 =	simm.s32 @!p2 $0x0  }
0x1d: {  	s5 =	simm.s32 @p1 $0x1;
	p0 =	seq.s32 s7, s2  }
0x1e: {  	s7 =	smul.u32 @!p0 $0xF7A, s2;
	p2 =	seq.s32 @!p0 s5, $0x0  }
0x1f: {  	s9 =	smul.u32 $0xF7A, s1;
	s8 =	simm.s32 @!p0 $0x1BF5;
	p2 =	por !p2, p0  }
0x20: {  	[sflag:s8] =	ssyncset.s32 @!p0 $0xFFFFF086;
	s6 =	sadd.s32 @!p0 s3, s7;
	s7 =	simm.s32 @!p0 $0x108  }
0x21: {  	s3 =	sadd.s32 s3, s9;
	s6 =	sadd.s32 @!p0 $0x88, s6;
	s7 =	simm.s32 @p2 $0x1082  }
0x22: {  	[simem:s7], [sflag:s8] =	dma.local @!p0 [hbm:s6], $0xF7A  }
0x23: {  	s9 =	sor.u32 $0xD0000000, s2;
	s6 =	simm.s32 $0x108;
	_ =	swait.ge @!p0 [sflag:s8], $0x0  }
0x24: {  	s3 =	sadd.s32 $0x88, s3;
	s6 =	simm.s32 @!p1 $0x1082;
	[sflag:s4] =	ssyncset.s32 $0xFFFFF086  }
0x25: {  	[simem:s6], [sflag:s4] =	dma.local [hbm:s3], $0xF7A  }
0x26: {  	[smem:$0x3F98] =	sst s1;
	(tag) =	ssettag s2;
	_ =	strace s9  }
0x27: {  	s1 =	sld [smem:$0x3FA8]  }
0x28: {  	s2 =	sld [smem:$0x3FA9]  }
0x29: {  	s4 =	sld [smem:$0x3FAB]  }
0x2a: {  	p0 =	seq.s32 s5, $0x0;
	s5 =	sld [smem:$0x3FAC]  }
0x2b: {  	s6 =	sld [smem:$0x3FAD]  }
0x2c: {  	s7 =	sld [smem:$0x3FAE]  }
0x2d: {  	s3 =	simm.s32 $0x108;
	s8 =	sld [smem:$0x3FAF]  }
0x2e: {  	s3 =	simm.s32 @!p0 $0x1082;
	s9 =	sld [smem:$0x3FB0]  }
0x2f: {  	lr =	sadd.s32 s0, s3;
	s0 =	sld [smem:$0x3FA7]  }
0x30: {  	s3 =	sld [smem:$0x3FAA]  }
0x31: {  	[smem:$0x3FB3] =	sst s10  }
0x32: {  	s10 =	sld [smem:$0x3FB1];
	_ =	sdelay $0x3  }
0x33: {  	p0 =	seq.s32 s10, $0x1;
	s10 =	sld [smem:$0x3FB3];
	_ =	sdelay $0x3  }
0x34: {  	[smem:$0x3FB3] =	sst s10  }
0x35: {  	s10 =	sld [smem:$0x3FB2];
	_ =	sdelay $0x3  }
0x36: {  	p1 =	seq.s32 s10, $0x1;
	s10 =	sld [smem:$0x3FB3];
	_ =	sdelay $0x3  }
0x37: {  	[smem:$0x3FB3] =	sst s10  }
0x38: {  	s10 =	sld [smem:$0x3FB4]  }
0x39: {  	_ = 	snop;
	(pc) =	sbr.ind lr, $3  }
0x3a: {  	_ = 	snop  }
0x3b: {  	_ = 	snop  }
0x3c: {  	p2 =	seq.s32 s10, $0x1;
	s10 =	sld [smem:$0x3FB3]  }
0x3d: {  	_ =	shalt  }
0x3e: {  	_ =	shalt  }
0x3f: {  	_ =	shalt  }
0x40: {  	_ =	shalt  }
0x41: {  	_ =	shalt  }
0x42: {  	_ =	shalt  }
0x43: {  	_ =	shalt  }
0x44: {  	_ =	shalt  }
0x45: {  	_ =	shalt  }
0x46: {  	_ =	shalt  }
0x47: {  	_ =	shalt  }
0x48: {  	_ =	shalt  }
0x49: {  	_ =	shalt  }
0x4a: {  	_ =	shalt  }
0x4b: {  	_ =	shalt  }
0x4c: {  	_ =	shalt  }
0x4d: {  	_ =	shalt  }
0x4e: {  	_ =	shalt  }
0x4f: {  	_ =	shalt  }
0x50: {  	_ =	shalt  }
0x51: {  	_ =	shalt  }
0x52: {  	_ =	shalt  }
0x53: {  	_ =	shalt  }
0x54: {  	_ =	shalt  }
0x55: {  	_ =	shalt  }
0x56: {  	_ =	shalt  }
0x57: {  	_ =	shalt  }
0x58: {  	_ =	shalt  }
0x59: {  	_ =	shalt  }
0x5a: {  	_ =	shalt  }
0x5b: {  	_ =	shalt  }
0x5c: {  	_ =	shalt  }
0x5d: {  	_ =	shalt  }
0x5e: {  	_ =	shalt  }
0x5f: {  	_ =	shalt  }
0x60: {  	_ =	shalt  }
0x61: {  	_ =	shalt  }
0x62: {  	_ =	shalt  }
0x63: {  	_ =	shalt  }
0x64: {  	_ =	shalt  }
0x65: {  	_ =	shalt  }
0x66: {  	_ =	shalt  }
0x67: {  	_ =	shalt  }
0x68: {  	_ =	shalt  }
0x69: {  	_ =	shalt  }
0x6a: {  	_ =	shalt  }
0x6b: {  	_ =	shalt  }
0x6c: {  	_ =	shalt  }
0x6d: {  	_ =	shalt  }
0x6e: {  	_ =	shalt  }
0x6f: {  	_ =	shalt  }
0x70: {  	_ =	shalt  }
0x71: {  	_ =	shalt  }
0x72: {  	_ =	shalt  }
0x73: {  	_ =	shalt  }
0x74: {  	_ =	shalt  }
0x75: {  	_ =	shalt  }
0x76: {  	_ =	shalt  }
0x77: {  	_ =	shalt  }
0x78: {  	_ =	shalt  }
0x79: {  	_ =	shalt  }
0x7a: {  	_ =	shalt  }
0x7b: {  	_ =	shalt  }
0x7c: {  	_ =	shalt  }
0x7d: {  	_ =	shalt  }
0x7e: {  	_ =	shalt  }
0x7f: {  	_ =	shalt  }
0x80: {  	_ =	shalt  }
0x81: {  	_ =	shalt  }
0x82: {  	_ =	shalt  }
0x83: {  	_ =	shalt  }
0x84: {  	_ =	shalt  }
0x85: {  	_ =	shalt  }
0x86: {  	_ =	shalt  }
0x87: {  	_ =	shalt  }
.Lfunc_end0:
.L_simem_size_0:
called_computation.1_lowered:
.L_overlay_start_0:
0x88: {  	s2 =	sld [smem:$0x3FD9]  }
0x89: {  	s3 =	sld [smem:$0x3FFE];
	_ =	sdelay $0x1  }
0x8a: {  	s1 =	srdreg.scid  }
0x8b: {  	s0 =	sand.u32 $0x1, s1  }
0x8c: {  	s14 =	sshll.u32 s0, $0xA;
	s2 =	sadd.s32 s3, s2  }
0x8d: {  	s2 =	sadd.s32 s2, s14  }
0x8e: {  	[smem:$0x3FBF] =	sst s2  }
0x8f: {  	_ = 	snop  }
0x90: {  	s2 =	sld [smem:$0x3FD0];
	_ =	sdelay $0x2  }
0x91: {  	s15 =	simm.s32 $0xA;
	s4 =	simm.s32 $0x10  }
0x92: {  	[smem:s4], [sflag:s15] =	dma.local [hbm:s2], $0x1  }
0x93: {  	_ =	swait.eq [sflag:s15], $0x1  }
0x94: {  	[sflag:s15] =	ssyncset.done $0x0  }
0x95: {  	[sflag:s15] =	ssyncadd.s32 $0xFFFFFFFF  }
0x96: {  	s16 =	sld [smem:$0x10];
	(tm) =	ssettm $0x1  }
0x97: {  	s17 =	sld [smem:$0x3FFB];
	_ =	sdelay $0x3  }
0x98: {  	_ =	strace s17  }
0x99: {  	s3 =	sld [smem:$0x3FFC];
	_ =	sdelay $0x3  }
0x9a: {  	_ =	strace s3  }
0x9b: {  	s3 =	sld [smem:$0x3FFD];
	_ =	sdelay $0x3  }
0x9c: {  	_ =	strace s3  }
0x9d: {  	_ =	strace $0x8FFFFFFF  }
0x9e: {  	s18 =	sld [smem:$0x3FDB];
	_ =	sdelay $0x1  }
0x9f: {  	s19 =	simm.s32 $_scs_section_size  }
0xa0: {  	s5 =	simm.s32 $_size__tile_overlayer_lowered;
	s6 =	simm.s32 $_tile_overlayer_lowered  }
0xa1: {  	s22 =	simm.s32 $0x1BFF;
	s21 =	sshll.u32 s6, $0x1;
	s3 =	sadd.s32 s19, s18  }
0xa2: {  	s7 =	simm.s32 $0x0;
	s20 =	sshll.u32 s5, $0x1;
	s5 =	sadd.s32 s21, s3  }
0xa3: {  	[timem:s7], [sflag:s22] =	dma.local [hbm:s5], s20  }
0xa4: {  	_ =	swait.ge [sflag:s22], s20  }
0xa5: {  	s4 =	ssub.s32 $0x0, s20;
	[sflag:s22] =	ssyncset.done $0x0  }
0xa6: {  	[sflag:s22] =	ssyncadd.s32 s4;
	_ =	sdelay $0x1  }
0xa7: {  	s23 =	simm.s32 $0x1B8B  }
0xa8: {  	_ =	swait.ge [sflag:s23], $0x1  }
0xa9: {  	[sflag:s23] =	ssyncset.done $0x0  }
0xaa: {  	s25 =	simm.s32 $0x1B8E;
	s24 =	sld [smem:$0x3FFE];
	[sflag:s23] =	ssyncadd.s32 $0xFFFFFFFF  }
0xab: {  	s26 =	simm.s32 $execute0_lowered;
	[smem:$0x3FD2] =	sst s25  }
0xac: {  	s5 =	sshll.u32 s26, $0x1;
	_ =	strace $0x80000049;
	[dreg:$0x1] =	wrdreg $0xFFFFFFFF  }
0xad: {  	s28 =	simm.s32 $_size_execute0_lowered;
	s3 =	sadd.s32 s3, s5;
	[dreg:$0x0] =	wrdreg $0x0  }
0xae: {  	s5 =	sshll.u32 s28, $0x1;
	[dreg:$0x2] =	wrdreg s3  }
0xaf: {  	[dreg:$0x3] =	wrdreg s5  }
0xb0: {  	[dreg:$0x4] =	wrdreg $0xC0  }
0xb1: {  	_ =	task [dreg:s7], $0x5FFFF  }
0xb2: {  	[dreg:$0x1] =	wrdreg $0xFFFFFFFF  }
0xb3: {  	[dreg:$0x0] =	wrdreg $0x60  }
0xb4: {  	[dreg:$0x2] =	wrdreg s24  }
0xb5: {  	[dreg:$0x3] =	wrdreg s16  }
0xb6: {  	[dreg:$0x4] =	wrdreg $0x9  }
0xb7: {  	_ =	task.clear_ibuf [dreg:s7], $0x5FFFF;
	_ =	strace $0x90000049  }
0xb8: {  	s29 =	simm.s32 $0x9;
	_ =	strace $0x8000004B  }
0xb9: {  	_ =	swait.ge [sflag:s29], $0x1  }
0xba: {  	[sflag:s29] =	ssyncadd.s32 $0xFFFFFFFF  }
0xbb: {  	_ =	strace $0x9000004B  }
0xbc: {  	_ =	sfence  }
0xbd: {  	s30 =	sld [smem:$0x0];
	_ =	sdelay $0x2  }
0xbe: {  	s31 =	sshll.u32 s1, $0xD;
	s1 =	sshrl.u32 s1, $0x2  }
0xbf: {  	s3 =	sand.u32 $0x4000, s31;
	s1 =	sadd.s32 s1, s30  }
0xc0: {  	s0 =	sor.u32 s3, s0;
	s1 =	sshll.u32 s1, $0x11  }
0xc1: {  	s0 =	sor.u32 s1, s0  }
0xc2: {  	s0 =	sadd.s32 $0x8F2B, s0  }
0xc3: {  	[sflag:s0] =	ssyncadd.remote.s32 $0x1  }
0xc4: {  	_ =	sfence.sel $0xFFFF  }
0xc5: {  	[dreg:$0x0] =	wrdreg $0xFFFFFFFF;
	(pc) =	sbr.abs _section_cstart, $3  }
0xc6: {  	[dreg:$0x1] =	wrdreg $0xFFFFFFFF  }
0xc7: {  	_ =	task.clear_ibuf [dreg:s7], $0x2FFFF;
	_ =	strace $0x9FFFFFFF  }
0xc8: {  	(tm) =	ssettm $0x7FFFFFFF  }
0xc9: {  	_ =	shalt  }
tec
execute0_lowered:
.L_overlay_start_1:
0x0: {  	(tag) =	ssettag $0x1  }
0x1: {  	s0 =	rddreg [dreg:$0x0];
	s1 =	srdreg.scid  }
0x2: {  	s2 =	stileid.u32;
	s4 =	rddreg [dreg:$0x1];
	s25 =	simm.s32 $0x15000  }
0x3: {  	s26 =	simm.s32 $0x15080;
	s28 =	simm.s32 $0x1000;
	s29 =	simm.s32 $0x1800  }
0x4: {  	s30 =	simm.s32 $0x2000;
	s31 =	simm.s32 $0x2800;
	s8 =	simm.s32 $0x4000  }
0x5: {  	s9 =	simm.s32 $0x4800;
	s10 =	simm.s32 $0x5000;
	s11 =	simm.s32 $0x5800  }
0x6: {  	s12 =	simm.s32 $0x6000;
	s13 =	simm.s32 $0x6800;
	s14 =	simm.s32 $0x7000  }
0x7: {  	s15 =	simm.s32 $0x7800;
	s16 =	simm.s32 $0x8000;
	s17 =	simm.s32 $0x8800  }
0x8: {  	s18 =	simm.s32 $0x9000;
	s19 =	simm.s32 $0x9800;
	s20 =	simm.s32 $0xA000  }
0x9: {  	s1 =	sand.u32 $0x1, s1;
	s3 =	sshll.u32 s2, $0x1;
	s2 =	simm.s32 $0x0  }
0xa: {  	s5 =	sor.u32 s1, s3;
	[smem:$0x7FF] =	sst s2;
	s3 =	sadd.s32 $0x28D200, s0  }
0xb: {  	s1 =	ssub.s32 $0x2, s1;
	s6 =	smul.u32 $0x2A00, s5;
	_ =	strace $0x8000004A  }
0xc: {  	s5 =	sshll.u32 s5, $0x4;
	s22 =	sshrl.u32 s1, $0x1;
	[dreg:$0x7] =	wrdreg s25  }
0xd: {  	[dreg:$0x8] =	wrdreg s26;
	s7 =	sadd.s32 s5, s0;
	s4 =	sadd.s32 s4, s5  }
0xe: {  	s1 =	ssub.s32 s1, s22;
	s5 =	sadd.s32 $0x28D400, s0;
	s22 =	simm.s32 $0xB000  }
0xf: {  	s6 =	sadd.s32 s6, s0;
	[dreg:$0x3] =	wrdreg s4;
	s21 =	sadd.s32 $0x71000, s7  }
0x10: {  	s4 =	sadd.s32 $0x28D300, s0;
	s7 =	simm.s32 $0x2;
	[dreg:$0x4] =	wrdreg s21  }
0x11: {  	v2 =	vlaneseq.u32;
	s23 =	sadd.s32 $0x1000, s6;
	s24 =	sadd.s32 $0x71200, s6;
	s6 =	smax.u32 s1, $0x1  }
0x12: {  	vm0 =	vmmov $0xffff;
	v1 =	vshrl.u32 v2, $0x3;
	s1 =	simm.s32 $0x3000;
	s21 =	simm.s32 $0xA800;
	[dreg:$0x5] =	wrdreg s23  }
0x13: {  	v0 =	vand.u32 $0x7, v2;
	v2 =	vor.u32 $0x8, v2;
	v1 =	vmul.u32 $0x8, v1;
	[dreg:$0x6] =	wrdreg s24;
	s24 =	simm.s32 $0x1;
	s23 =	simm.s32 $0xB800  }
.LBB2_1:
0x14: {  	s25 =	rddreg [dreg:$0x3]  }
0x15: {  	s26 =	rddreg [dreg:$0x7]  }
0x16: {  	[tilespmem:s26], [sflag:$0x2] =	stream.linear.gather [hbm4b:s25+s2], $0x80, $0x38;
	[tilespmem:$0x15100] =	vst v63  }
0x17: {  	_ =	swait.ge [sflag:s7], $0x80  }
0x18: {  	s26 =	rddreg [dreg:$0x4];
	[sflag:s7] =	ssyncset.done $0x0  }
0x19: {  	s0 =	rddreg [dreg:$0x8];
	[sflag:s7] =	ssyncadd.s32 $0xFFFFFF80  }
0x1a: {  	[tilespmem:s0], [sflag:$0x2] =	stream.linear.gather [hbm4b:s26+s2], $0x80, $0x38;
	[tilespmem:$0x15100] =	vst v63  }
0x1b: {  	_ =	swait.ge [sflag:s7], $0x80  }
0x1c: {  	[sflag:s7] =	ssyncset.done $0x0  }
0x1d: {  	[sflag:s7] =	ssyncadd.s32 $0xFFFFFF80  }
0x1e: {  	v3 =	vld [tilespmem:$0x15000];
	_ =	sdelay $0x4  }
0x1f: {  	v4 =	vshrl.u32 v3, $0x3  }
0x20: {  	v4 =	vmul.u32 $0x30, v4  }
0x21: {  	v3 =	vand.u32 $0x7, v3  }
0x22: {  	v3 =	vor.u32 v3, v4  }
0x23: {  	v4 =	vperm.xlane v3, v0;
	_ =	sdelay $0x1  }
0x24: {  	v4 =	vadd.s32 v1, v4;
	_ =	sdelay $0x3  }
0x25: {  	v3 =	vperm.xlane v3, v2  }
0x26: {  	[tilespmem:s2], [sflag:$0x1] =	stream.indirect_vreg.gather [hbm4b:s3+s2], $0x80, v4, vm0, $0xb8;
	[tilespmem:$0x15100] =	vst v63  }
0x27: {  	s26 =	simm.s32 $0x800;
	v3 =	vadd.s32 v1, v3  }
0x28: {  	[tilespmem:s26], [sflag:$0x1] =	stream.indirect_vreg.gather [hbm4b:s4+s2], $0x80, v4, vm0, $0xb8;
	[tilespmem:$0x15100] =	vst v63  }
0x29: {  	_ = 	snop  }
0x2a: {  	[tilespmem:s28], [sflag:$0x1] =	stream.indirect_vreg.gather [hbm4b:s5+s2], $0x80, v4, vm0, $0xb8;
	[tilespmem:$0x15100] =	vst v63  }
0x2b: {  	_ = 	snop  }
0x2c: {  	[tilespmem:s29], [sflag:$0x1] =	stream.indirect_vreg.gather [hbm4b:s3+s2], $0x80, v3, vm0, $0xb8;
	[tilespmem:$0x15100] =	vst v63  }
0x2d: {  	_ = 	snop  }
0x2e: {  	[tilespmem:s30], [sflag:$0x1] =	stream.indirect_vreg.gather [hbm4b:s4+s2], $0x80, v3, vm0, $0xb8;
	[tilespmem:$0x15100] =	vst v63  }
0x2f: {  	_ = 	snop  }
0x30: {  	[tilespmem:s31], [sflag:$0x1] =	stream.indirect_vreg.gather [hbm4b:s5+s2], $0x80, v3, vm0, $0xb8;
	[tilespmem:$0x15100] =	vst v63  }
0x31: {  	v3 =	vld [tilespmem:$0x15010];
	_ =	sdelay $0x4  }
0x32: {  	v51 =	vshrl.u32 v3, $0x3  }
0x33: {  	v4 =	vmul.u32 $0x30, v51  }
0x34: {  	v3 =	vand.u32 $0x7, v3  }
0x35: {  	v3 =	vor.u32 v3, v4  }
0x36: {  	v4 =	vperm.xlane v3, v0;
	_ =	sdelay $0x1  }
0x37: {  	v4 =	vadd.s32 v1, v4;
	_ =	sdelay $0x3  }
0x38: {  	v3 =	vperm.xlane v3, v2  }
0x39: {  	[tilespmem:s1], [sflag:$0x1] =	stream.indirect_vreg.gather [hbm4b:s3+s2], $0x80, v4, vm0, $0xb8;
	[tilespmem:$0x15100] =	vst v63  }
0x3a: {  	s0 =	simm.s32 $0x3800;
	v3 =	vadd.s32 v1, v3  }
0x3b: {  	[tilespmem:s0], [sflag:$0x1] =	stream.indirect_vreg.gather [hbm4b:s4+s2], $0x80, v4, vm0, $0xb8;
	[tilespmem:$0x15100] =	vst v63  }
0x3c: {  	_ = 	snop  }
0x3d: {  	[tilespmem:s8], [sflag:$0x1] =	stream.indirect_vreg.gather [hbm4b:s5+s2], $0x80, v4, vm0, $0xb8;
	[tilespmem:$0x15100] =	vst v63  }
0x3e: {  	_ = 	snop  }
0x3f: {  	[tilespmem:s9], [sflag:$0x1] =	stream.indirect_vreg.gather [hbm4b:s3+s2], $0x80, v3, vm0, $0xb8;
	[tilespmem:$0x15100] =	vst v63  }
0x40: {  	_ = 	snop  }
0x41: {  	[tilespmem:s10], [sflag:$0x1] =	stream.indirect_vreg.gather [hbm4b:s4+s2], $0x80, v3, vm0, $0xb8;
	[tilespmem:$0x15100] =	vst v63  }
0x42: {  	_ = 	snop  }
0x43: {  	[tilespmem:s11], [sflag:$0x1] =	stream.indirect_vreg.gather [hbm4b:s5+s2], $0x80, v3, vm0, $0xb8;
	[tilespmem:$0x15100] =	vst v63  }
0x44: {  	v3 =	vld [tilespmem:$0x15020];
	_ =	sdelay $0x4  }
0x45: {  	v52 =	vshrl.u32 v3, $0x3  }
0x46: {  	v4 =	vmul.u32 $0x30, v52  }
0x47: {  	v3 =	vand.u32 $0x7, v3  }
0x48: {  	v3 =	vor.u32 v3, v4  }
0x49: {  	v4 =	vperm.xlane v3, v0;
	_ =	sdelay $0x1  }
0x4a: {  	v4 =	vadd.s32 v1, v4;
	_ =	sdelay $0x3  }
0x4b: {  	v3 =	vperm.xlane v3, v2  }
0x4c: {  	[tilespmem:s12], [sflag:$0x1] =	stream.indirect_vreg.gather [hbm4b:s3+s2], $0x80, v4, vm0, $0xb8;
	[tilespmem:$0x15100] =	vst v63  }
0x4d: {  	v3 =	vadd.s32 v1, v3  }
0x4e: {  	[tilespmem:s13], [sflag:$0x1] =	stream.indirect_vreg.gather [hbm4b:s4+s2], $0x80, v4, vm0, $0xb8;
	[tilespmem:$0x15100] =	vst v63  }
0x4f: {  	_ = 	snop  }
0x50: {  	[tilespmem:s14], [sflag:$0x1] =	stream.indirect_vreg.gather [hbm4b:s5+s2], $0x80, v4, vm0, $0xb8;
	[tilespmem:$0x15100] =	vst v63  }
0x51: {  	_ = 	snop  }
0x52: {  	[tilespmem:s15], [sflag:$0x1] =	stream.indirect_vreg.gather [hbm4b:s3+s2], $0x80, v3, vm0, $0xb8;
	[tilespmem:$0x15100] =	vst v63  }
0x53: {  	_ = 	snop  }
0x54: {  	[tilespmem:s16], [sflag:$0x1] =	stream.indirect_vreg.gather [hbm4b:s4+s2], $0x80, v3, vm0, $0xb8;
	[tilespmem:$0x15100] =	vst v63  }
0x55: {  	_ = 	snop  }
0x56: {  	[tilespmem:s17], [sflag:$0x1] =	stream.indirect_vreg.gather [hbm4b:s5+s2], $0x80, v3, vm0, $0xb8;
	[tilespmem:$0x15100] =	vst v63  }
0x57: {  	v3 =	vld [tilespmem:$0x15030];
	_ =	sdelay $0x4  }
0x58: {  	v53 =	vshrl.u32 v3, $0x3  }
0x59: {  	v4 =	vmul.u32 $0x30, v53  }
0x5a: {  	v3 =	vand.u32 $0x7, v3  }
0x5b: {  	v3 =	vor.u32 v3, v4  }
0x5c: {  	v4 =	vperm.xlane v3, v0;
	_ =	sdelay $0x1  }
0x5d: {  	v4 =	vadd.s32 v1, v4;
	_ =	sdelay $0x3  }
0x5e: {  	v3 =	vperm.xlane v3, v2  }
0x5f: {  	[tilespmem:s18], [sflag:$0x1] =	stream.indirect_vreg.gather [hbm4b:s3+s2], $0x80, v4, vm0, $0xb8;
	[tilespmem:$0x15100] =	vst v63  }
0x60: {  	v3 =	vadd.s32 v1, v3  }
0x61: {  	[tilespmem:s19], [sflag:$0x1] =	stream.indirect_vreg.gather [hbm4b:s4+s2], $0x80, v4, vm0, $0xb8;
	[tilespmem:$0x15100] =	vst v63  }
0x62: {  	_ = 	snop  }
0x63: {  	[tilespmem:s20], [sflag:$0x1] =	stream.indirect_vreg.gather [hbm4b:s5+s2], $0x80, v4, vm0, $0xb8;
	[tilespmem:$0x15100] =	vst v63  }
0x64: {  	_ = 	snop  }
0x65: {  	[tilespmem:s21], [sflag:$0x1] =	stream.indirect_vreg.gather [hbm4b:s3+s2], $0x80, v3, vm0, $0xb8;
	[tilespmem:$0x15100] =	vst v63  }
0x66: {  	_ = 	snop  }
0x67: {  	[tilespmem:s22], [sflag:$0x1] =	stream.indirect_vreg.gather [hbm4b:s4+s2], $0x80, v3, vm0, $0xb8;
	[tilespmem:$0x15100] =	vst v63  }
0x68: {  	_ = 	snop  }
0x69: {  	[tilespmem:s23], [sflag:$0x1] =	stream.indirect_vreg.gather [hbm4b:s5+s2], $0x80, v3, vm0, $0xb8;
	[tilespmem:$0x15100] =	vst v63  }
0x6a: {  	v3 =	vld [tilespmem:$0x15040];
	_ =	sdelay $0x4  }
0x6b: {  	v54 =	vshrl.u32 v3, $0x3  }
0x6c: {  	v4 =	vmul.u32 $0x30, v54  }
0x6d: {  	v3 =	vand.u32 $0x7, v3  }
0x6e: {  	v3 =	vor.u32 v3, v4  }
0x6f: {  	v4 =	vperm.xlane v3, v0;
	_ =	sdelay $0x1  }
0x70: {  	v4 =	vadd.s32 v1, v4;
	_ =	sdelay $0x3  }
0x71: {  	s25 =	simm.s32 $0xC000;
	v3 =	vperm.xlane v3, v2  }
0x72: {  	[tilespmem:s25], [sflag:$0x1] =	stream.indirect_vreg.gather [hbm4b:s3+s2], $0x80, v4, vm0, $0xb8;
	[tilespmem:$0x15100] =	vst v63  }
0x73: {  	v3 =	vadd.s32 v1, v3;
	s25 =	simm.s32 $0xC800  }
0x74: {  	[tilespmem:s25], [sflag:$0x1] =	stream.indirect_vreg.gather [hbm4b:s4+s2], $0x80, v4, vm0, $0xb8;
	[tilespmem:$0x15100] =	vst v63  }
0x75: {  	s25 =	simm.s32 $0xD000  }
0x76: {  	[tilespmem:s25], [sflag:$0x1] =	stream.indirect_vreg.gather [hbm4b:s5+s2], $0x80, v4, vm0, $0xb8;
	[tilespmem:$0x15100] =	vst v63  }
0x77: {  	s25 =	simm.s32 $0xD800  }
0x78: {  	[tilespmem:s25], [sflag:$0x1] =	stream.indirect_vreg.gather [hbm4b:s3+s2], $0x80, v3, vm0, $0xb8;
	[tilespmem:$0x15100] =	vst v63  }
0x79: {  	s25 =	simm.s32 $0xE000  }
0x7a: {  	[tilespmem:s25], [sflag:$0x1] =	stream.indirect_vreg.gather [hbm4b:s4+s2], $0x80, v3, vm0, $0xb8;
	[tilespmem:$0x15100] =	vst v63  }
0x7b: {  	s25 =	simm.s32 $0xE800  }
0x7c: {  	[tilespmem:s25], [sflag:$0x1] =	stream.indirect_vreg.gather [hbm4b:s5+s2], $0x80, v3, vm0, $0xb8;
	[tilespmem:$0x15100] =	vst v63  }
0x7d: {  	v3 =	vld [tilespmem:$0x15050];
	_ =	sdelay $0x4  }
0x7e: {  	v55 =	vshrl.u32 v3, $0x3  }
0x7f: {  	v4 =	vmul.u32 $0x30, v55  }
0x80: {  	v3 =	vand.u32 $0x7, v3  }
0x81: {  	v3 =	vor.u32 v3, v4  }
0x82: {  	v4 =	vperm.xlane v3, v0;
	_ =	sdelay $0x1  }
0x83: {  	v4 =	vadd.s32 v1, v4;
	_ =	sdelay $0x3  }
0x84: {  	s25 =	simm.s32 $0xF000;
	v3 =	vperm.xlane v3, v2  }
0x85: {  	[tilespmem:s25], [sflag:$0x1] =	stream.indirect_vreg.gather [hbm4b:s3+s2], $0x80, v4, vm0, $0xb8;
	[tilespmem:$0x15100] =	vst v63  }
0x86: {  	v3 =	vadd.s32 v1, v3;
	s25 =	simm.s32 $0xF800  }
0x87: {  	[tilespmem:s25], [sflag:$0x1] =	stream.indirect_vreg.gather [hbm4b:s4+s2], $0x80, v4, vm0, $0xb8;
	[tilespmem:$0x15100] =	vst v63  }
0x88: {  	s25 =	simm.s32 $0x10000  }
0x89: {  	[tilespmem:s25], [sflag:$0x1] =	stream.indirect_vreg.gather [hbm4b:s5+s2], $0x80, v4, vm0, $0xb8;
	[tilespmem:$0x15100] =	vst v63  }
0x8a: {  	s25 =	simm.s32 $0x10800  }
0x8b: {  	[tilespmem:s25], [sflag:$0x1] =	stream.indirect_vreg.gather [hbm4b:s3+s2], $0x80, v3, vm0, $0xb8;
	[tilespmem:$0x15100] =	vst v63  }
0x8c: {  	s25 =	simm.s32 $0x11000  }
0x8d: {  	[tilespmem:s25], [sflag:$0x1] =	stream.indirect_vreg.gather [hbm4b:s4+s2], $0x80, v3, vm0, $0xb8;
	[tilespmem:$0x15100] =	vst v63  }
0x8e: {  	s25 =	simm.s32 $0x11800  }
0x8f: {  	[tilespmem:s25], [sflag:$0x1] =	stream.indirect_vreg.gather [hbm4b:s5+s2], $0x80, v3, vm0, $0xb8;
	[tilespmem:$0x15100] =	vst v63  }
0x90: {  	v3 =	vld [tilespmem:$0x15060];
	_ =	sdelay $0x4  }
0x91: {  	v56 =	vshrl.u32 v3, $0x3  }
0x92: {  	v4 =	vmul.u32 $0x30, v56  }
0x93: {  	v3 =	vand.u32 $0x7, v3  }
0x94: {  	v3 =	vor.u32 v3, v4  }
0x95: {  	v4 =	vperm.xlane v3, v0;
	_ =	sdelay $0x1  }
0x96: {  	v4 =	vadd.s32 v1, v4;
	_ =	sdelay $0x3  }
0x97: {  	s25 =	simm.s32 $0x12000;
	v3 =	vperm.xlane v3, v2  }
0x98: {  	[tilespmem:s25], [sflag:$0x1] =	stream.indirect_vreg.gather [hbm4b:s3+s2], $0x80, v4, vm0, $0xb8;
	[tilespmem:$0x15100] =	vst v63  }
0x99: {  	v3 =	vadd.s32 v1, v3;
	s25 =	simm.s32 $0x12800  }
0x9a: {  	[tilespmem:s25], [sflag:$0x1] =	stream.indirect_vreg.gather [hbm4b:s4+s2], $0x80, v4, vm0, $0xb8;
	[tilespmem:$0x15100] =	vst v63  }
0x9b: {  	s25 =	simm.s32 $0x13000  }
0x9c: {  	[tilespmem:s25], [sflag:$0x1] =	stream.indirect_vreg.gather [hbm4b:s5+s2], $0x80, v4, vm0, $0xb8;
	[tilespmem:$0x15100] =	vst v63  }
0x9d: {  	s25 =	simm.s32 $0x13800  }
0x9e: {  	[tilespmem:s25], [sflag:$0x1] =	stream.indirect_vreg.gather [hbm4b:s3+s2], $0x80, v3, vm0, $0xb8;
	[tilespmem:$0x15100] =	vst v63  }
0x9f: {  	s25 =	simm.s32 $0x14000  }
0xa0: {  	[tilespmem:s25], [sflag:$0x1] =	stream.indirect_vreg.gather [hbm4b:s4+s2], $0x80, v3, vm0, $0xb8;
	[tilespmem:$0x15100] =	vst v63  }
0xa1: {  	s25 =	simm.s32 $0x14800  }
0xa2: {  	[tilespmem:s25], [sflag:$0x1] =	stream.indirect_vreg.gather [hbm4b:s5+s2], $0x80, v3, vm0, $0xb8;
	[tilespmem:$0x15100] =	vst v63  }
0xa3: {  	_ =	swait.ge [sflag:s24], $0x15000  }
0xa4: {  	[sflag:s24] =	ssyncset.done $0x0  }
0xa5: {  	s25 =	rddreg [dreg:$0x5];
	[sflag:s24] =	ssyncadd.s32 $0xFFFEB000  }
0xa6: {  	[hbm4b:s25+s2] =	stream.linear.scatter [tilespmem:s2], [sflag:$0x2], $0x15000, $0x38;
	[tilespmem:$0x15100] =	vst v63  }
0xa7: {  	_ =	swait.ge [sflag:s7], $0x15000  }
0xa8: {  	[sflag:s7] =	ssyncset.done $0x0  }
0xa9: {  	[sflag:s7] =	ssyncadd.s32 $0xFFFEB000  }
0xaa: {  	v3 =	vld [tilespmem:$0x15080];
	_ =	sdelay $0x4  }
0xab: {  	v57 =	vshrl.u32 v3, $0x3  }
0xac: {  	v4 =	vmul.u32 $0x30, v57  }
0xad: {  	v3 =	vand.u32 $0x7, v3  }
0xae: {  	v3 =	vor.u32 v3, v4  }
0xaf: {  	v4 =	vperm.xlane v3, v0;
	_ =	sdelay $0x1  }
0xb0: {  	v4 =	vadd.s32 v1, v4;
	_ =	sdelay $0x3  }
0xb1: {  	v3 =	vperm.xlane v3, v2  }
0xb2: {  	[tilespmem:s2], [sflag:$0x1] =	stream.indirect_vreg.gather [hbm4b:s3+s2], $0x80, v4, vm0, $0xb8;
	[tilespmem:$0x15100] =	vst v63  }
0xb3: {  	v3 =	vadd.s32 v1, v3  }
0xb4: {  	[tilespmem:s26], [sflag:$0x1] =	stream.indirect_vreg.gather [hbm4b:s4+s2], $0x80, v4, vm0, $0xb8;
	[tilespmem:$0x15100] =	vst v63  }
0xb5: {  	_ = 	snop  }
0xb6: {  	[tilespmem:s28], [sflag:$0x1] =	stream.indirect_vreg.gather [hbm4b:s5+s2], $0x80, v4, vm0, $0xb8;
	[tilespmem:$0x15100] =	vst v63  }
0xb7: {  	_ = 	snop  }
0xb8: {  	[tilespmem:s29], [sflag:$0x1] =	stream.indirect_vreg.gather [hbm4b:s3+s2], $0x80, v3, vm0, $0xb8;
	[tilespmem:$0x15100] =	vst v63  }
0xb9: {  	_ = 	snop  }
0xba: {  	[tilespmem:s30], [sflag:$0x1] =	stream.indirect_vreg.gather [hbm4b:s4+s2], $0x80, v3, vm0, $0xb8;
	[tilespmem:$0x15100] =	vst v63  }
0xbb: {  	_ = 	snop  }
0xbc: {  	[tilespmem:s31], [sflag:$0x1] =	stream.indirect_vreg.gather [hbm4b:s5+s2], $0x80, v3, vm0, $0xb8;
	[tilespmem:$0x15100] =	vst v63  }
0xbd: {  	v3 =	vld [tilespmem:$0x15090];
	_ =	sdelay $0x4  }
0xbe: {  	v58 =	vshrl.u32 v3, $0x3  }
0xbf: {  	v4 =	vmul.u32 $0x30, v58  }
0xc0: {  	v3 =	vand.u32 $0x7, v3  }
0xc1: {  	v3 =	vor.u32 v3, v4  }
0xc2: {  	v4 =	vperm.xlane v3, v0;
	_ =	sdelay $0x1  }
0xc3: {  	v4 =	vadd.s32 v1, v4;
	_ =	sdelay $0x3  }
0xc4: {  	v3 =	vperm.xlane v3, v2  }
0xc5: {  	[tilespmem:s1], [sflag:$0x1] =	stream.indirect_vreg.gather [hbm4b:s3+s2], $0x80, v4, vm0, $0xb8;
	[tilespmem:$0x15100] =	vst v63  }
0xc6: {  	v3 =	vadd.s32 v1, v3  }
0xc7: {  	[tilespmem:s0], [sflag:$0x1] =	stream.indirect_vreg.gather [hbm4b:s4+s2], $0x80, v4, vm0, $0xb8;
	[tilespmem:$0x15100] =	vst v63  }
0xc8: {  	_ = 	snop  }
0xc9: {  	[tilespmem:s8], [sflag:$0x1] =	stream.indirect_vreg.gather [hbm4b:s5+s2], $0x80, v4, vm0, $0xb8;
	[tilespmem:$0x15100] =	vst v63  }
0xca: {  	_ = 	snop  }
0xcb: {  	[tilespmem:s9], [sflag:$0x1] =	stream.indirect_vreg.gather [hbm4b:s3+s2], $0x80, v3, vm0, $0xb8;
	[tilespmem:$0x15100] =	vst v63  }
0xcc: {  	_ = 	snop  }
0xcd: {  	[tilespmem:s10], [sflag:$0x1] =	stream.indirect_vreg.gather [hbm4b:s4+s2], $0x80, v3, vm0, $0xb8;
	[tilespmem:$0x15100] =	vst v63  }
0xce: {  	_ = 	snop  }
0xcf: {  	[tilespmem:s11], [sflag:$0x1] =	stream.indirect_vreg.gather [hbm4b:s5+s2], $0x80, v3, vm0, $0xb8;
	[tilespmem:$0x15100] =	vst v63  }
0xd0: {  	v3 =	vld [tilespmem:$0x150A0];
	_ =	sdelay $0x4  }
0xd1: {  	v59 =	vshrl.u32 v3, $0x3  }
0xd2: {  	v4 =	vmul.u32 $0x30, v59  }
0xd3: {  	v3 =	vand.u32 $0x7, v3  }
0xd4: {  	v3 =	vor.u32 v3, v4  }
0xd5: {  	v4 =	vperm.xlane v3, v0;
	_ =	sdelay $0x1  }
0xd6: {  	v4 =	vadd.s32 v1, v4;
	_ =	sdelay $0x3  }
0xd7: {  	v3 =	vperm.xlane v3, v2  }
0xd8: {  	[tilespmem:s12], [sflag:$0x1] =	stream.indirect_vreg.gather [hbm4b:s3+s2], $0x80, v4, vm0, $0xb8;
	[tilespmem:$0x15100] =	vst v63  }
0xd9: {  	v3 =	vadd.s32 v1, v3  }
0xda: {  	[tilespmem:s13], [sflag:$0x1] =	stream.indirect_vreg.gather [hbm4b:s4+s2], $0x80, v4, vm0, $0xb8;
	[tilespmem:$0x15100] =	vst v63  }
0xdb: {  	_ = 	snop  }
0xdc: {  	[tilespmem:s14], [sflag:$0x1] =	stream.indirect_vreg.gather [hbm4b:s5+s2], $0x80, v4, vm0, $0xb8;
	[tilespmem:$0x15100] =	vst v63  }
0xdd: {  	_ = 	snop  }
0xde: {  	[tilespmem:s15], [sflag:$0x1] =	stream.indirect_vreg.gather [hbm4b:s3+s2], $0x80, v3, vm0, $0xb8;
	[tilespmem:$0x15100] =	vst v63  }
0xdf: {  	_ = 	snop  }
0xe0: {  	[tilespmem:s16], [sflag:$0x1] =	stream.indirect_vreg.gather [hbm4b:s4+s2], $0x80, v3, vm0, $0xb8;
	[tilespmem:$0x15100] =	vst v63  }
0xe1: {  	_ = 	snop  }
0xe2: {  	[tilespmem:s17], [sflag:$0x1] =	stream.indirect_vreg.gather [hbm4b:s5+s2], $0x80, v3, vm0, $0xb8;
	[tilespmem:$0x15100] =	vst v63  }
0xe3: {  	v3 =	vld [tilespmem:$0x150B0];
	_ =	sdelay $0x4  }
0xe4: {  	v60 =	vshrl.u32 v3, $0x3  }
0xe5: {  	v4 =	vmul.u32 $0x30, v60  }
0xe6: {  	v3 =	vand.u32 $0x7, v3  }
0xe7: {  	v3 =	vor.u32 v3, v4  }
0xe8: {  	v4 =	vperm.xlane v3, v0;
	_ =	sdelay $0x1  }
0xe9: {  	v4 =	vadd.s32 v1, v4;
	_ =	sdelay $0x3  }
0xea: {  	v3 =	vperm.xlane v3, v2  }
0xeb: {  	[tilespmem:s18], [sflag:$0x1] =	stream.indirect_vreg.gather [hbm4b:s3+s2], $0x80, v4, vm0, $0xb8;
	[tilespmem:$0x15100] =	vst v63  }
0xec: {  	v3 =	vadd.s32 v1, v3  }
0xed: {  	[tilespmem:s19], [sflag:$0x1] =	stream.indirect_vreg.gather [hbm4b:s4+s2], $0x80, v4, vm0, $0xb8;
	[tilespmem:$0x15100] =	vst v63  }
0xee: {  	_ = 	snop  }
0xef: {  	[tilespmem:s20], [sflag:$0x1] =	stream.indirect_vreg.gather [hbm4b:s5+s2], $0x80, v4, vm0, $0xb8;
	[tilespmem:$0x15100] =	vst v63  }
0xf0: {  	_ = 	snop  }
0xf1: {  	[tilespmem:s21], [sflag:$0x1] =	stream.indirect_vreg.gather [hbm4b:s3+s2], $0x80, v3, vm0, $0xb8;
	[tilespmem:$0x15100] =	vst v63  }
0xf2: {  	_ = 	snop  }
0xf3: {  	[tilespmem:s22], [sflag:$0x1] =	stream.indirect_vreg.gather [hbm4b:s4+s2], $0x80, v3, vm0, $0xb8;
	[tilespmem:$0x15100] =	vst v63  }
0xf4: {  	_ = 	snop  }
0xf5: {  	[tilespmem:s23], [sflag:$0x1] =	stream.indirect_vreg.gather [hbm4b:s5+s2], $0x80, v3, vm0, $0xb8;
	[tilespmem:$0x15100] =	vst v63  }
0xf6: {  	v3 =	vld [tilespmem:$0x150C0];
	_ =	sdelay $0x4  }
0xf7: {  	v61 =	vshrl.u32 v3, $0x3  }
0xf8: {  	v4 =	vmul.u32 $0x30, v61  }
0xf9: {  	v3 =	vand.u32 $0x7, v3  }
0xfa: {  	v3 =	vor.u32 v3, v4  }
0xfb: {  	v4 =	vperm.xlane v3, v0;
	_ =	sdelay $0x1  }
0xfc: {  	v4 =	vadd.s32 v1, v4;
	_ =	sdelay $0x3  }
0xfd: {  	s26 =	simm.s32 $0xC000;
	v3 =	vperm.xlane v3, v2  }
0xfe: {  	[tilespmem:s26], [sflag:$0x1] =	stream.indirect_vreg.gather [hbm4b:s3+s2], $0x80, v4, vm0, $0xb8;
	[tilespmem:$0x15100] =	vst v63  }
0xff: {  	s25 =	simm.s32 $0xC800;
	v3 =	vadd.s32 v1, v3  }
0x100: {  	[tilespmem:s25], [sflag:$0x1] =	stream.indirect_vreg.gather [hbm4b:s4+s2], $0x80, v4, vm0, $0xb8;
	[tilespmem:$0x15100] =	vst v63  }
0x101: {  	s26 =	simm.s32 $0xD000  }
0x102: {  	[tilespmem:s26], [sflag:$0x1] =	stream.indirect_vreg.gather [hbm4b:s5+s2], $0x80, v4, vm0, $0xb8;
	[tilespmem:$0x15100] =	vst v63  }
0x103: {  	s25 =	simm.s32 $0xD800  }
0x104: {  	[tilespmem:s25], [sflag:$0x1] =	stream.indirect_vreg.gather [hbm4b:s3+s2], $0x80, v3, vm0, $0xb8;
	[tilespmem:$0x15100] =	vst v63  }
0x105: {  	s26 =	simm.s32 $0xE000  }
0x106: {  	[tilespmem:s26], [sflag:$0x1] =	stream.indirect_vreg.gather [hbm4b:s4+s2], $0x80, v3, vm0, $0xb8;
	[tilespmem:$0x15100] =	vst v63  }
0x107: {  	s25 =	simm.s32 $0xE800  }
0x108: {  	[tilespmem:s25], [sflag:$0x1] =	stream.indirect_vreg.gather [hbm4b:s5+s2], $0x80, v3, vm0, $0xb8;
	[tilespmem:$0x15100] =	vst v63  }
0x109: {  	v3 =	vld [tilespmem:$0x150D0];
	_ =	sdelay $0x4  }
0x10a: {  	v62 =	vshrl.u32 v3, $0x3  }
0x10b: {  	v4 =	vmul.u32 $0x30, v62  }
0x10c: {  	v3 =	vand.u32 $0x7, v3  }
0x10d: {  	v3 =	vor.u32 v3, v4  }
0x10e: {  	v4 =	vperm.xlane v3, v0;
	_ =	sdelay $0x1  }
0x10f: {  	v4 =	vadd.s32 v1, v4;
	_ =	sdelay $0x3  }
0x110: {  	s26 =	simm.s32 $0xF000;
	v3 =	vperm.xlane v3, v2  }
0x111: {  	[tilespmem:s26], [sflag:$0x1] =	stream.indirect_vreg.gather [hbm4b:s3+s2], $0x80, v4, vm0, $0xb8;
	[tilespmem:$0x15100] =	vst v63  }
0x112: {  	s25 =	simm.s32 $0xF800;
	v3 =	vadd.s32 v1, v3  }
0x113: {  	[tilespmem:s25], [sflag:$0x1] =	stream.indirect_vreg.gather [hbm4b:s4+s2], $0x80, v4, vm0, $0xb8;
	[tilespmem:$0x15100] =	vst v63  }
0x114: {  	s26 =	simm.s32 $0x10000  }
0x115: {  	[tilespmem:s26], [sflag:$0x1] =	stream.indirect_vreg.gather [hbm4b:s5+s2], $0x80, v4, vm0, $0xb8;
	[tilespmem:$0x15100] =	vst v63  }
0x116: {  	s25 =	simm.s32 $0x10800  }
0x117: {  	[tilespmem:s25], [sflag:$0x1] =	stream.indirect_vreg.gather [hbm4b:s3+s2], $0x80, v3, vm0, $0xb8;
	[tilespmem:$0x15100] =	vst v63  }
0x118: {  	s26 =	simm.s32 $0x11000  }
0x119: {  	[tilespmem:s26], [sflag:$0x1] =	stream.indirect_vreg.gather [hbm4b:s4+s2], $0x80, v3, vm0, $0xb8;
	[tilespmem:$0x15100] =	vst v63  }
0x11a: {  	s25 =	simm.s32 $0x11800  }
0x11b: {  	[tilespmem:s25], [sflag:$0x1] =	stream.indirect_vreg.gather [hbm4b:s5+s2], $0x80, v3, vm0, $0xb8;
	[tilespmem:$0x15100] =	vst v63  }
0x11c: {  	v3 =	vld [tilespmem:$0x150E0];
	_ =	sdelay $0x4  }
0x11d: {  	v63 =	vshrl.u32 v3, $0x3  }
0x11e: {  	v4 =	vmul.u32 $0x30, v63  }
0x11f: {  	v3 =	vand.u32 $0x7, v3  }
0x120: {  	v3 =	vor.u32 v3, v4  }
0x121: {  	v4 =	vperm.xlane v3, v0;
	_ =	sdelay $0x1  }
0x122: {  	v4 =	vadd.s32 v1, v4;
	_ =	sdelay $0x3  }
0x123: {  	s26 =	simm.s32 $0x12000;
	v3 =	vperm.xlane v3, v2  }
0x124: {  	[tilespmem:s26], [sflag:$0x1] =	stream.indirect_vreg.gather [hbm4b:s3+s2], $0x80, v4, vm0, $0xb8;
	[tilespmem:$0x15100] =	vst v63  }
0x125: {  	s25 =	simm.s32 $0x12800;
	v3 =	vadd.s32 v1, v3  }
0x126: {  	[tilespmem:s25], [sflag:$0x1] =	stream.indirect_vreg.gather [hbm4b:s4+s2], $0x80, v4, vm0, $0xb8;
	[tilespmem:$0x15100] =	vst v63  }
0x127: {  	s26 =	simm.s32 $0x13000  }
0x128: {  	[tilespmem:s26], [sflag:$0x1] =	stream.indirect_vreg.gather [hbm4b:s5+s2], $0x80, v4, vm0, $0xb8;
	[tilespmem:$0x15100] =	vst v63  }
0x129: {  	s25 =	simm.s32 $0x13800  }
0x12a: {  	[tilespmem:s25], [sflag:$0x1] =	stream.indirect_vreg.gather [hbm4b:s3+s2], $0x80, v3, vm0, $0xb8;
	[tilespmem:$0x15100] =	vst v63  }
0x12b: {  	s26 =	simm.s32 $0x14000  }
0x12c: {  	[tilespmem:s26], [sflag:$0x1] =	stream.indirect_vreg.gather [hbm4b:s4+s2], $0x80, v3, vm0, $0xb8;
	[tilespmem:$0x15100] =	vst v63  }
0x12d: {  	s25 =	simm.s32 $0x14800  }
0x12e: {  	[tilespmem:s25], [sflag:$0x1] =	stream.indirect_vreg.gather [hbm4b:s5+s2], $0x80, v3, vm0, $0xb8;
	[tilespmem:$0x15100] =	vst v63  }
0x12f: {  	_ =	swait.ge [sflag:s24], $0x15000  }
0x130: {  	p0 =	sne.s32 s6, $0x1;
	[sflag:s24] =	ssyncset.done $0x0  }
.Ltmp0:
0x131: {  	s26 =	rddreg [dreg:$0x6];
	[sflag:s24] =	ssyncadd.s32 $0xFFFEB000;
	(pc) =	sbr.rel @p0 .LBB2_1-.Ltmp0, $4  }
0x132: {  	[hbm4b:s26+s2] =	stream.linear.scatter [tilespmem:s2], [sflag:$0x2], $0x15000, $0x38;
	[tilespmem:$0x15100] =	vst v63  }
0x133: {  	_ =	swait.ge [sflag:s7], $0x15000  }
0x134: {  	[sflag:s7] =	ssyncset.done $0x0  }
0x135: {  	s6 =	sadd.s32 $0xFFFFFFFF, s6;
	[sflag:s7] =	ssyncadd.s32 $0xFFFEB000  }
0x136: {  	_ =	sfence.sel $0x180000  }
0x137: {  	[bflag:$0x0] =	sbarrier.arrive $0xFFFF  }
0x138: {  	_ =	strace $0x9000004A  }
0x139: {  	s0 =	stileid.u32;
	[bflag:$0x2] =	sbarrier.arrive $0xFFFF  }
0x13a: {  	p0 =	sne.s32 s0, $0x0;
	s0 =	rddreg [dreg:$0x2]  }
0x13b: {  	s0 =	sadd.s32 @!p0 $0x100000, s0  }
0x13c: {  	[sflag:s0] =	ssyncadd.tile.s32 @!p0 $0x1;
	_ =	shalt  }
.Lfunc_end2:
_tile_overlayer_lowered:
.L_overlay_start_2:
0x13d: {  	(tag) =	ssettag $0x2  }
0x13e: {  	s0 =	rddreg [dreg:$0x0];
	s2 =	stileid.u32  }
0x13f: {  	s1 =	rddreg [dreg:$0x1];
	p0 =	sne.s32 s2, $0x0  }
0x140: {  	s3 =	rddreg [dreg:$0x2];
	[bflag:$0x3] =	sbarrier.arrive $0xFFFF;
	s2 =	simm.s32 @!p0 $0x1C02  }
0x141: {  	[timem:s3], [sflag:s2] =	dma.local @!p0 [hbm:s0], s1  }
0x142: {  	s0 =	simm.s32 @!p0 $0x2  }
0x143: {  	_ =	swait.ge @!p0 [sflag:s0], s1  }
0x144: {  	s1 =	ssub.s32 @!p0 $0x0, s1;
	[sflag:s0] =	ssyncset.done @!p0 $0x0  }
0x145: {  	[sflag:s0] =	ssyncadd.s32 @!p0 s1  }
0x146: {  	[bflag:$0x3] =	sbarrier.arrive $0xFFFF  }
0x147: {  	_ =	shalt  }

// kernel: kernel.9.cloned.1.call-start
scs
__scs_entry_jumppad:
0x0: {  	(pc) =	sbr.rel $0x88, $3  }
0x1: {  	(tag) =	ssettag $0x0;
	lr =	simm.s32 $0x1  }
0x2: {  	[smem:$0x3F98] =	sst lr;
	_ =	strace $0xD0000000  }
0x3: {  	_ = 	snop  }
0x4: {  	_ = 	snop  }
0x5: {  	_ = 	snop  }
0x6: {  	_ = 	snop  }
0x7: {  	_ = 	snop  }
__scs_overlays_trampoline_lowered:
0x8: {  	[smem:$0x3FA7] =	sst s0  }
0x9: {  	[smem:$0x3FA8] =	sst s1  }
0xa: {  	[smem:$0x3FA9] =	sst s2  }
0xb: {  	[smem:$0x3FAA] =	sst s3  }
0xc: {  	[smem:$0x3FAB] =	sst s4  }
0xd: {  	[smem:$0x3FAC] =	sst s5  }
0xe: {  	[smem:$0x3FAD] =	sst s6  }
0xf: {  	[smem:$0x3FAE] =	sst s7  }
0x10: {  	[smem:$0x3FAF] =	sst s8  }
0x11: {  	[smem:$0x3FB0] =	sst s9;
	s0 =	simm.s32 @!p0 $0x0  }
0x12: {  	s1 =	sld [smem:$0x3F96];
	s0 =	simm.s32 @p0 $0x1  }
0x13: {  	[smem:$0x3FB1] =	sst s0;
	s0 =	simm.s32 @!p1 $0x0  }
0x14: {  	s2 =	sld [smem:$0x3F95];
	s0 =	simm.s32 @p1 $0x1  }
0x15: {  	[smem:$0x3FB2] =	sst s0;
	s0 =	simm.s32 @!p2 $0x0  }
0x16: {  	s3 =	sld [smem:$0x3FDB];
	s0 =	simm.s32 @p2 $0x1  }
0x17: {  	s4 =	simm.s32 $0x1BF5;
	[smem:$0x3FB4] =	sst s0  }
0x18: {  	s0 =	sld [smem:$0x3F97];
	_ =	swait.ge [sflag:s4], $0x0  }
0x19: {  	s7 =	sld [smem:$0x3F98]  }
0x1a: {  	s8 =	sadd.s32 $0xFFFFE003, lr  }
0x1b: {  	s9 =	sadd.s32 $0xFFFFFEF7, lr;
	s5 =	simm.s32 $0xFFFFFFFF;
	p2 =	slt.u32 s8, $0xFFFFF086  }
0x1c: {  	p1 =	slt.u32 s9, $0xF7A;
	s5 =	simm.s32 @!p2 $0x0  }
0x1d: {  	s5 =	simm.s32 @p1 $0x1;
	p0 =	seq.s32 s7, s2  }
0x1e: {  	s7 =	smul.u32 @!p0 $0xF7A, s2;
	p2 =	seq.s32 @!p0 s5, $0x0  }
0x1f: {  	s9 =	smul.u32 $0xF7A, s1;
	s8 =	simm.s32 @!p0 $0x1BF5;
	p2 =	por !p2, p0  }
0x20: {  	[sflag:s8] =	ssyncset.s32 @!p0 $0xFFFFF086;
	s6 =	sadd.s32 @!p0 s3, s7;
	s7 =	simm.s32 @!p0 $0x108  }
0x21: {  	s3 =	sadd.s32 s3, s9;
	s6 =	sadd.s32 @!p0 $0x88, s6;
	s7 =	simm.s32 @p2 $0x1082  }
0x22: {  	[simem:s7], [sflag:s8] =	dma.local @!p0 [hbm:s6], $0xF7A  }
0x23: {  	s9 =	sor.u32 $0xD0000000, s2;
	s6 =	simm.s32 $0x108;
	_ =	swait.ge @!p0 [sflag:s8], $0x0  }
0x24: {  	s3 =	sadd.s32 $0x88, s3;
	s6 =	simm.s32 @!p1 $0x1082;
	[sflag:s4] =	ssyncset.s32 $0xFFFFF086  }
0x25: {  	[simem:s6], [sflag:s4] =	dma.local [hbm:s3], $0xF7A  }
0x26: {  	[smem:$0x3F98] =	sst s1;
	(tag) =	ssettag s2;
	_ =	strace s9  }
0x27: {  	s1 =	sld [smem:$0x3FA8]  }
0x28: {  	s2 =	sld [smem:$0x3FA9]  }
0x29: {  	s4 =	sld [smem:$0x3FAB]  }
0x2a: {  	p0 =	seq.s32 s5, $0x0;
	s5 =	sld [smem:$0x3FAC]  }
0x2b: {  	s6 =	sld [smem:$0x3FAD]  }
0x2c: {  	s7 =	sld [smem:$0x3FAE]  }
0x2d: {  	s3 =	simm.s32 $0x108;
	s8 =	sld [smem:$0x3FAF]  }
0x2e: {  	s3 =	simm.s32 @!p0 $0x1082;
	s9 =	sld [smem:$0x3FB0]  }
0x2f: {  	lr =	sadd.s32 s0, s3;
	s0 =	sld [smem:$0x3FA7]  }
0x30: {  	s3 =	sld [smem:$0x3FAA]  }
0x31: {  	[smem:$0x3FB3] =	sst s10  }
0x32: {  	s10 =	sld [smem:$0x3FB1];
	_ =	sdelay $0x3  }
0x33: {  	p0 =	seq.s32 s10, $0x1;
	s10 =	sld [smem:$0x3FB3];
	_ =	sdelay $0x3  }
0x34: {  	[smem:$0x3FB3] =	sst s10  }
0x35: {  	s10 =	sld [smem:$0x3FB2];
	_ =	sdelay $0x3  }
0x36: {  	p1 =	seq.s32 s10, $0x1;
	s10 =	sld [smem:$0x3FB3];
	_ =	sdelay $0x3  }
0x37: {  	[smem:$0x3FB3] =	sst s10  }
0x38: {  	s10 =	sld [smem:$0x3FB4]  }
0x39: {  	_ = 	snop;
	(pc) =	sbr.ind lr, $3  }
0x3a: {  	_ = 	snop  }
0x3b: {  	_ = 	snop  }
0x3c: {  	p2 =	seq.s32 s10, $0x1;
	s10 =	sld [smem:$0x3FB3]  }
0x3d: {  	_ =	shalt  }
0x3e: {  	_ =	shalt  }
0x3f: {  	_ =	shalt  }
0x40: {  	_ =	shalt  }
0x41: {  	_ =	shalt  }
0x42: {  	_ =	shalt  }
0x43: {  	_ =	shalt  }
0x44: {  	_ =	shalt  }
0x45: {  	_ =	shalt  }
0x46: {  	_ =	shalt  }
0x47: {  	_ =	shalt  }
0x48: {  	_ =	shalt  }
0x49: {  	_ =	shalt  }
0x4a: {  	_ =	shalt  }
0x4b: {  	_ =	shalt  }
0x4c: {  	_ =	shalt  }
0x4d: {  	_ =	shalt  }
0x4e: {  	_ =	shalt  }
0x4f: {  	_ =	shalt  }
0x50: {  	_ =	shalt  }
0x51: {  	_ =	shalt  }
0x52: {  	_ =	shalt  }
0x53: {  	_ =	shalt  }
0x54: {  	_ =	shalt  }
0x55: {  	_ =	shalt  }
0x56: {  	_ =	shalt  }
0x57: {  	_ =	shalt  }
0x58: {  	_ =	shalt  }
0x59: {  	_ =	shalt  }
0x5a: {  	_ =	shalt  }
0x5b: {  	_ =	shalt  }
0x5c: {  	_ =	shalt  }
0x5d: {  	_ =	shalt  }
0x5e: {  	_ =	shalt  }
0x5f: {  	_ =	shalt  }
0x60: {  	_ =	shalt  }
0x61: {  	_ =	shalt  }
0x62: {  	_ =	shalt  }
0x63: {  	_ =	shalt  }
0x64: {  	_ =	shalt  }
0x65: {  	_ =	shalt  }
0x66: {  	_ =	shalt  }
0x67: {  	_ =	shalt  }
0x68: {  	_ =	shalt  }
0x69: {  	_ =	shalt  }
0x6a: {  	_ =	shalt  }
0x6b: {  	_ =	shalt  }
0x6c: {  	_ =	shalt  }
0x6d: {  	_ =	shalt  }
0x6e: {  	_ =	shalt  }
0x6f: {  	_ =	shalt  }
0x70: {  	_ =	shalt  }
0x71: {  	_ =	shalt  }
0x72: {  	_ =	shalt  }
0x73: {  	_ =	shalt  }
0x74: {  	_ =	shalt  }
0x75: {  	_ =	shalt  }
0x76: {  	_ =	shalt  }
0x77: {  	_ =	shalt  }
0x78: {  	_ =	shalt  }
0x79: {  	_ =	shalt  }
0x7a: {  	_ =	shalt  }
0x7b: {  	_ =	shalt  }
0x7c: {  	_ =	shalt  }
0x7d: {  	_ =	shalt  }
0x7e: {  	_ =	shalt  }
0x7f: {  	_ =	shalt  }
0x80: {  	_ =	shalt  }
0x81: {  	_ =	shalt  }
0x82: {  	_ =	shalt  }
0x83: {  	_ =	shalt  }
0x84: {  	_ =	shalt  }
0x85: {  	_ =	shalt  }
0x86: {  	_ =	shalt  }
0x87: {  	_ =	shalt  }
.Lfunc_end0:
.L_simem_size_0:
called_computation_lowered:
.L_overlay_start_0:
0x88: {  	s2 =	sld [smem:$0x3FD9]  }
0x89: {  	s3 =	sld [smem:$0x3FFE];
	_ =	sdelay $0x1  }
0x8a: {  	s1 =	srdreg.scid  }
0x8b: {  	s0 =	sand.u32 $0x1, s1  }
0x8c: {  	s14 =	sshll.u32 s0, $0xA;
	s2 =	sadd.s32 s3, s2  }
0x8d: {  	s2 =	sadd.s32 s2, s14  }
0x8e: {  	[smem:$0x3FBF] =	sst s2  }
0x8f: {  	_ = 	snop  }
0x90: {  	s2 =	sld [smem:$0x3FD0];
	_ =	sdelay $0x2  }
0x91: {  	s15 =	simm.s32 $0xA;
	s4 =	simm.s32 $0x10  }
0x92: {  	[smem:s4], [sflag:s15] =	dma.local [hbm:s2], $0x1  }
0x93: {  	_ =	swait.eq [sflag:s15], $0x1  }
0x94: {  	[sflag:s15] =	ssyncset.done $0x0  }
0x95: {  	[sflag:s15] =	ssyncadd.s32 $0xFFFFFFFF  }
0x96: {  	s16 =	sld [smem:$0x10];
	(tm) =	ssettm $0x1  }
0x97: {  	s17 =	sld [smem:$0x3FFB];
	_ =	sdelay $0x3  }
0x98: {  	_ =	strace s17  }
0x99: {  	s3 =	sld [smem:$0x3FFC];
	_ =	sdelay $0x3  }
0x9a: {  	_ =	strace s3  }
0x9b: {  	s3 =	sld [smem:$0x3FFD];
	_ =	sdelay $0x3  }
0x9c: {  	_ =	strace s3  }
0x9d: {  	_ =	strace $0x8FFFFFFF  }
0x9e: {  	s18 =	sld [smem:$0x3FDB];
	_ =	sdelay $0x1  }
0x9f: {  	s19 =	simm.s32 $_scs_section_size  }
0xa0: {  	s5 =	simm.s32 $_size__tile_overlayer_lowered;
	s6 =	simm.s32 $_tile_overlayer_lowered  }
0xa1: {  	s22 =	simm.s32 $0x1BFF;
	s21 =	sshll.u32 s6, $0x1;
	s3 =	sadd.s32 s19, s18  }
0xa2: {  	s7 =	simm.s32 $0x0;
	s20 =	sshll.u32 s5, $0x1;
	s5 =	sadd.s32 s21, s3  }
0xa3: {  	[timem:s7], [sflag:s22] =	dma.local [hbm:s5], s20  }
0xa4: {  	_ =	swait.ge [sflag:s22], s20  }
0xa5: {  	s4 =	ssub.s32 $0x0, s20;
	[sflag:s22] =	ssyncset.done $0x0  }
0xa6: {  	[sflag:s22] =	ssyncadd.s32 s4;
	_ =	sdelay $0x1  }
0xa7: {  	s23 =	simm.s32 $0x1B8B  }
0xa8: {  	_ =	swait.ge [sflag:s23], $0x1  }
0xa9: {  	[sflag:s23] =	ssyncset.done $0x0  }
0xaa: {  	s25 =	simm.s32 $0x1B8E;
	s24 =	sld [smem:$0x3FFE];
	[sflag:s23] =	ssyncadd.s32 $0xFFFFFFFF  }
0xab: {  	s26 =	simm.s32 $execute0_lowered;
	[smem:$0x3FD2] =	sst s25  }
0xac: {  	s5 =	sshll.u32 s26, $0x1;
	_ =	strace $0x80000046;
	[dreg:$0x1] =	wrdreg $0xFFFFFFFF  }
0xad: {  	s28 =	simm.s32 $_size_execute0_lowered;
	s3 =	sadd.s32 s3, s5;
	[dreg:$0x0] =	wrdreg $0x0  }
0xae: {  	s5 =	sshll.u32 s28, $0x1;
	[dreg:$0x2] =	wrdreg s3  }
0xaf: {  	[dreg:$0x3] =	wrdreg s5  }
0xb0: {  	[dreg:$0x4] =	wrdreg $0xC0  }
0xb1: {  	_ =	task [dreg:s7], $0x5FFFF  }
0xb2: {  	[dreg:$0x1] =	wrdreg $0xFFFFFFFF  }
0xb3: {  	[dreg:$0x0] =	wrdreg $0x60  }
0xb4: {  	[dreg:$0x2] =	wrdreg s24  }
0xb5: {  	[dreg:$0x3] =	wrdreg s16  }
0xb6: {  	[dreg:$0x4] =	wrdreg $0x9  }
0xb7: {  	_ =	task.clear_ibuf [dreg:s7], $0x5FFFF;
	_ =	strace $0x90000046  }
0xb8: {  	s29 =	simm.s32 $0x9;
	_ =	strace $0x80000048  }
0xb9: {  	_ =	swait.ge [sflag:s29], $0x1  }
0xba: {  	[sflag:s29] =	ssyncadd.s32 $0xFFFFFFFF  }
0xbb: {  	_ =	strace $0x90000048  }
0xbc: {  	_ =	sfence  }
0xbd: {  	s30 =	sld [smem:$0x0];
	_ =	sdelay $0x2  }
0xbe: {  	s31 =	sshll.u32 s1, $0xD;
	s1 =	sshrl.u32 s1, $0x2  }
0xbf: {  	s3 =	sand.u32 $0x4000, s31;
	s1 =	sadd.s32 s1, s30  }
0xc0: {  	s0 =	sor.u32 s3, s0;
	s1 =	sshll.u32 s1, $0x11  }
0xc1: {  	s0 =	sor.u32 s1, s0  }
0xc2: {  	s0 =	sadd.s32 $0x8F2B, s0  }
0xc3: {  	[sflag:s0] =	ssyncadd.remote.s32 $0x1  }
0xc4: {  	_ =	sfence.sel $0xFFFF  }
0xc5: {  	[dreg:$0x0] =	wrdreg $0xFFFFFFFF;
	(pc) =	sbr.abs _section_cstart, $3  }
0xc6: {  	[dreg:$0x1] =	wrdreg $0xFFFFFFFF  }
0xc7: {  	_ =	task.clear_ibuf [dreg:s7], $0x2FFFF;
	_ =	strace $0x9FFFFFFF  }
0xc8: {  	(tm) =	ssettm $0x7FFFFFFF  }
0xc9: {  	_ =	shalt  }
tec
execute0_lowered:
.L_overlay_start_1:
0x0: {  	(tag) =	ssettag $0x1  }
0x1: {  	s0 =	srdreg.scid  }
0x2: {  	s2 =	stileid.u32;
	s1 =	rddreg [dreg:$0x0]  }
0x3: {  	s4 =	rddreg [dreg:$0x1];
	s13 =	simm.s32 $0x1000;
	s14 =	simm.s32 $0x1800  }
0x4: {  	s15 =	simm.s32 $0x2000;
	s16 =	simm.s32 $0x2800;
	s17 =	simm.s32 $0x3000  }
0x5: {  	s18 =	simm.s32 $0x3800;
	s19 =	simm.s32 $0x4000;
	s20 =	simm.s32 $0x4800  }
0x6: {  	s21 =	simm.s32 $0x5000;
	s22 =	simm.s32 $0x5800;
	s28 =	simm.s32 $0x8000  }
0x7: {  	s29 =	simm.s32 $0x8800;
	s30 =	simm.s32 $0x9000;
	s31 =	simm.s32 $0x9800  }
0x8: {  	s11 =	simm.s32 $0xB800;
	s0 =	sand.u32 $0x1, s0;
	s2 =	sshll.u32 s2, $0x1  }
0x9: {  	s12 =	simm.s32 $0xC000;
	s26 =	sadd.s32 $0x71200, s1;
	s3 =	sor.u32 s0, s2  }
0xa: {  	s2 =	simm.s32 $0x0;
	s0 =	ssub.s32 $0x2, s0;
	s5 =	smul.u32 $0x2A00, s3  }
0xb: {  	[smem:$0x7FF] =	sst s2;
	s6 =	smul.u32 $0x700, s3;
	s7 =	sshll.u32 s3, $0x4  }
0xc: {  	s3 =	sadd.s32 $0x95200, s1;
	s25 =	sshrl.u32 s0, $0x1;
	_ =	strace $0x80000047  }
0xd: {  	s24 =	sadd.s32 s7, s1;
	s4 =	sadd.s32 s4, s7;
	[dreg:$0x8] =	wrdreg s26  }
0xe: {  	s0 =	ssub.s32 s0, s25;
	s25 =	simm.s32 $0x7000;
	s5 =	sadd.s32 s5, s1  }
0xf: {  	s6 =	sadd.s32 s6, s1;
	[dreg:$0x6] =	wrdreg s4;
	s23 =	sadd.s32 $0x1000, s5  }
0x10: {  	s26 =	simm.s32 $0x7800;
	s8 =	sadd.s32 $0x55000, s6;
	[dreg:$0x3] =	wrdreg s23  }
0x11: {  	s7 =	smax.u32 s0, $0x1;
	s6 =	sadd.s32 $0x63000, s6;
	[dreg:$0x4] =	wrdreg s8  }
0x12: {  	v2 =	vlaneseq.u32;
	s5 =	sadd.s32 $0x71000, s24;
	s24 =	simm.s32 $0x6800;
	[dreg:$0x5] =	wrdreg s6  }
0x13: {  	vm0 =	vmmov $0xffff;
	v1 =	vshrl.u32 v2, $0x3;
	[dreg:$0x7] =	wrdreg s5;
	s5 =	sadd.s32 $0x95300, s1;
	s6 =	sadd.s32 $0x95400, s1  }
0x14: {  	v0 =	vand.u32 $0x7, v2;
	v2 =	vor.u32 $0x8, v2;
	v1 =	vmul.u32 $0x8, v1;
	s8 =	simm.s32 $0x2;
	s1 =	simm.s32 $0x1;
	s23 =	simm.s32 $0x6000  }
.LBB2_1:
0x15: {  	s0 =	rddreg [dreg:$0x3]  }
0x16: {  	[tilespmem:s2], [sflag:$0x2] =	stream.linear.gather [hbm4b:s0+s2], $0x15000, $0x38;
	[tilespmem:$0x1C100] =	vst v63  }
0x17: {  	_ =	swait.ge [sflag:s8], $0x15000  }
0x18: {  	[sflag:s8] =	ssyncset.done $0x0  }
0x19: {  	s4 =	simm.s32 $0x15000;
	s10 =	rddreg [dreg:$0x4];
	[sflag:s8] =	ssyncadd.s32 $0xFFFEB000  }
0x1a: {  	[tilespmem:s4], [sflag:$0x2] =	stream.linear.gather [hbm4b:s10+s2], $0x3800, $0x38;
	[tilespmem:$0x1C100] =	vst v63  }
0x1b: {  	_ =	swait.ge [sflag:s8], $0x3800  }
0x1c: {  	[sflag:s8] =	ssyncset.done $0x0  }
0x1d: {  	s10 =	simm.s32 $0x18800;
	s9 =	rddreg [dreg:$0x5];
	[sflag:s8] =	ssyncadd.s32 $0xFFFFC800  }
0x1e: {  	[tilespmem:s10], [sflag:$0x2] =	stream.linear.gather [hbm4b:s9+s2], $0x3800, $0x38;
	[tilespmem:$0x1C100] =	vst v63  }
0x1f: {  	_ =	swait.ge [sflag:s8], $0x3800  }
0x20: {  	[sflag:s8] =	ssyncset.done $0x0  }
0x21: {  	s10 =	simm.s32 $0x1C000;
	s9 =	rddreg [dreg:$0x6];
	[sflag:s8] =	ssyncadd.s32 $0xFFFFC800  }
0x22: {  	[tilespmem:s10], [sflag:$0x2] =	stream.linear.gather [hbm4b:s9+s2], $0x80, $0x38;
	[tilespmem:$0x1C100] =	vst v63  }
0x23: {  	_ =	swait.ge [sflag:s8], $0x80  }
0x24: {  	[sflag:s8] =	ssyncset.done $0x0  }
0x25: {  	s10 =	simm.s32 $0x1C080;
	s9 =	rddreg [dreg:$0x7];
	[sflag:s8] =	ssyncadd.s32 $0xFFFFFF80  }
0x26: {  	[tilespmem:s10], [sflag:$0x2] =	stream.linear.gather [hbm4b:s9+s2], $0x80, $0x38;
	[tilespmem:$0x1C100] =	vst v63  }
0x27: {  	_ =	swait.ge [sflag:s8], $0x80  }
0x28: {  	[sflag:s8] =	ssyncset.done $0x0  }
0x29: {  	[sflag:s8] =	ssyncadd.s32 $0xFFFFFF80  }
0x2a: {  	v3 =	vld [tilespmem:$0x1C000];
	_ =	sdelay $0x4  }
0x2b: {  	v4 =	vshrl.u32 v3, $0x3  }
0x2c: {  	v4 =	vmul.u32 $0x30, v4  }
0x2d: {  	v3 =	vand.u32 $0x7, v3  }
0x2e: {  	v3 =	vor.u32 v3, v4  }
0x2f: {  	v4 =	vperm.xlane v3, v0;
	_ =	sdelay $0x1  }
0x30: {  	v4 =	vadd.s32 v1, v4;
	_ =	sdelay $0x3  }
0x31: {  	v3 =	vperm.xlane v3, v2  }
0x32: {  	[hbm4b:s3+s2] =	stream.indirect_vreg.scatter [tilespmem:s2], [sflag:$0x1], $0x80, v4, vm0, $0xb8;
	[tilespmem:$0x1C100] =	vst v63  }
0x33: {  	s4 =	simm.s32 $0x800;
	v3 =	vadd.s32 v1, v3  }
0x34: {  	[hbm4b:s5+s2] =	stream.indirect_vreg.scatter [tilespmem:s4], [sflag:$0x1], $0x80, v4, vm0, $0xb8;
	[tilespmem:$0x1C100] =	vst v63  }
0x35: {  	_ = 	snop  }
0x36: {  	[hbm4b:s6+s2] =	stream.indirect_vreg.scatter [tilespmem:s13], [sflag:$0x1], $0x80, v4, vm0, $0xb8;
	[tilespmem:$0x1C100] =	vst v63  }
0x37: {  	_ = 	snop  }
0x38: {  	[hbm4b:s3+s2] =	stream.indirect_vreg.scatter [tilespmem:s14], [sflag:$0x1], $0x80, v3, vm0, $0xb8;
	[tilespmem:$0x1C100] =	vst v63  }
0x39: {  	_ = 	snop  }
0x3a: {  	[hbm4b:s5+s2] =	stream.indirect_vreg.scatter [tilespmem:s15], [sflag:$0x1], $0x80, v3, vm0, $0xb8;
	[tilespmem:$0x1C100] =	vst v63  }
0x3b: {  	_ = 	snop  }
0x3c: {  	[hbm4b:s6+s2] =	stream.indirect_vreg.scatter [tilespmem:s16], [sflag:$0x1], $0x80, v3, vm0, $0xb8;
	[tilespmem:$0x1C100] =	vst v63  }
0x3d: {  	v3 =	vld [tilespmem:$0x1C010];
	_ =	sdelay $0x4  }
0x3e: {  	v51 =	vshrl.u32 v3, $0x3  }
0x3f: {  	v4 =	vmul.u32 $0x30, v51  }
0x40: {  	v3 =	vand.u32 $0x7, v3  }
0x41: {  	v3 =	vor.u32 v3, v4  }
0x42: {  	v4 =	vperm.xlane v3, v0;
	_ =	sdelay $0x1  }
0x43: {  	v4 =	vadd.s32 v1, v4;
	_ =	sdelay $0x3  }
0x44: {  	v3 =	vperm.xlane v3, v2  }
0x45: {  	[hbm4b:s3+s2] =	stream.indirect_vreg.scatter [tilespmem:s17], [sflag:$0x1], $0x80, v4, vm0, $0xb8;
	[tilespmem:$0x1C100] =	vst v63  }
0x46: {  	v3 =	vadd.s32 v1, v3  }
0x47: {  	[hbm4b:s5+s2] =	stream.indirect_vreg.scatter [tilespmem:s18], [sflag:$0x1], $0x80, v4, vm0, $0xb8;
	[tilespmem:$0x1C100] =	vst v63  }
0x48: {  	_ = 	snop  }
0x49: {  	[hbm4b:s6+s2] =	stream.indirect_vreg.scatter [tilespmem:s19], [sflag:$0x1], $0x80, v4, vm0, $0xb8;
	[tilespmem:$0x1C100] =	vst v63  }
0x4a: {  	_ = 	snop  }
0x4b: {  	[hbm4b:s3+s2] =	stream.indirect_vreg.scatter [tilespmem:s20], [sflag:$0x1], $0x80, v3, vm0, $0xb8;
	[tilespmem:$0x1C100] =	vst v63  }
0x4c: {  	_ = 	snop  }
0x4d: {  	[hbm4b:s5+s2] =	stream.indirect_vreg.scatter [tilespmem:s21], [sflag:$0x1], $0x80, v3, vm0, $0xb8;
	[tilespmem:$0x1C100] =	vst v63  }
0x4e: {  	_ = 	snop  }
0x4f: {  	[hbm4b:s6+s2] =	stream.indirect_vreg.scatter [tilespmem:s22], [sflag:$0x1], $0x80, v3, vm0, $0xb8;
	[tilespmem:$0x1C100] =	vst v63  }
0x50: {  	v3 =	vld [tilespmem:$0x1C020];
	_ =	sdelay $0x4  }
0x51: {  	v52 =	vshrl.u32 v3, $0x3  }
0x52: {  	v4 =	vmul.u32 $0x30, v52  }
0x53: {  	v3 =	vand.u32 $0x7, v3  }
0x54: {  	v3 =	vor.u32 v3, v4  }
0x55: {  	v4 =	vperm.xlane v3, v0;
	_ =	sdelay $0x1  }
0x56: {  	v4 =	vadd.s32 v1, v4;
	_ =	sdelay $0x3  }
0x57: {  	v3 =	vperm.xlane v3, v2  }
0x58: {  	[hbm4b:s3+s2] =	stream.indirect_vreg.scatter [tilespmem:s23], [sflag:$0x1], $0x80, v4, vm0, $0xb8;
	[tilespmem:$0x1C100] =	vst v63  }
0x59: {  	v3 =	vadd.s32 v1, v3  }
0x5a: {  	[hbm4b:s5+s2] =	stream.indirect_vreg.scatter [tilespmem:s24], [sflag:$0x1], $0x80, v4, vm0, $0xb8;
	[tilespmem:$0x1C100] =	vst v63  }
0x5b: {  	_ = 	snop  }
0x5c: {  	[hbm4b:s6+s2] =	stream.indirect_vreg.scatter [tilespmem:s25], [sflag:$0x1], $0x80, v4, vm0, $0xb8;
	[tilespmem:$0x1C100] =	vst v63  }
0x5d: {  	_ = 	snop  }
0x5e: {  	[hbm4b:s3+s2] =	stream.indirect_vreg.scatter [tilespmem:s26], [sflag:$0x1], $0x80, v3, vm0, $0xb8;
	[tilespmem:$0x1C100] =	vst v63  }
0x5f: {  	_ = 	snop  }
0x60: {  	[hbm4b:s5+s2] =	stream.indirect_vreg.scatter [tilespmem:s28], [sflag:$0x1], $0x80, v3, vm0, $0xb8;
	[tilespmem:$0x1C100] =	vst v63  }
0x61: {  	_ = 	snop  }
0x62: {  	[hbm4b:s6+s2] =	stream.indirect_vreg.scatter [tilespmem:s29], [sflag:$0x1], $0x80, v3, vm0, $0xb8;
	[tilespmem:$0x1C100] =	vst v63  }
0x63: {  	v3 =	vld [tilespmem:$0x1C030];
	_ =	sdelay $0x4  }
0x64: {  	v53 =	vshrl.u32 v3, $0x3  }
0x65: {  	v4 =	vmul.u32 $0x30, v53  }
0x66: {  	v3 =	vand.u32 $0x7, v3  }
0x67: {  	v3 =	vor.u32 v3, v4  }
0x68: {  	v4 =	vperm.xlane v3, v0;
	_ =	sdelay $0x1  }
0x69: {  	v4 =	vadd.s32 v1, v4;
	_ =	sdelay $0x3  }
0x6a: {  	v3 =	vperm.xlane v3, v2  }
0x6b: {  	[hbm4b:s3+s2] =	stream.indirect_vreg.scatter [tilespmem:s30], [sflag:$0x1], $0x80, v4, vm0, $0xb8;
	[tilespmem:$0x1C100] =	vst v63  }
0x6c: {  	v3 =	vadd.s32 v1, v3  }
0x6d: {  	[hbm4b:s5+s2] =	stream.indirect_vreg.scatter [tilespmem:s31], [sflag:$0x1], $0x80, v4, vm0, $0xb8;
	[tilespmem:$0x1C100] =	vst v63  }
0x6e: {  	s4 =	simm.s32 $0xA000  }
0x6f: {  	[hbm4b:s6+s2] =	stream.indirect_vreg.scatter [tilespmem:s4], [sflag:$0x1], $0x80, v4, vm0, $0xb8;
	[tilespmem:$0x1C100] =	vst v63  }
0x70: {  	s9 =	simm.s32 $0xA800  }
0x71: {  	[hbm4b:s3+s2] =	stream.indirect_vreg.scatter [tilespmem:s9], [sflag:$0x1], $0x80, v3, vm0, $0xb8;
	[tilespmem:$0x1C100] =	vst v63  }
0x72: {  	s10 =	simm.s32 $0xB000  }
0x73: {  	[hbm4b:s5+s2] =	stream.indirect_vreg.scatter [tilespmem:s10], [sflag:$0x1], $0x80, v3, vm0, $0xb8;
	[tilespmem:$0x1C100] =	vst v63  }
0x74: {  	_ = 	snop  }
0x75: {  	[hbm4b:s6+s2] =	stream.indirect_vreg.scatter [tilespmem:s11], [sflag:$0x1], $0x80, v3, vm0, $0xb8;
	[tilespmem:$0x1C100] =	vst v63  }
0x76: {  	v3 =	vld [tilespmem:$0x1C040];
	_ =	sdelay $0x4  }
0x77: {  	v54 =	vshrl.u32 v3, $0x3  }
0x78: {  	v4 =	vmul.u32 $0x30, v54  }
0x79: {  	v3 =	vand.u32 $0x7, v3  }
0x7a: {  	v3 =	vor.u32 v3, v4  }
0x7b: {  	v4 =	vperm.xlane v3, v0;
	_ =	sdelay $0x1  }
0x7c: {  	v4 =	vadd.s32 v1, v4;
	_ =	sdelay $0x3  }
0x7d: {  	v3 =	vperm.xlane v3, v2  }
0x7e: {  	[hbm4b:s3+s2] =	stream.indirect_vreg.scatter [tilespmem:s12], [sflag:$0x1], $0x80, v4, vm0, $0xb8;
	[tilespmem:$0x1C100] =	vst v63  }
0x7f: {  	s0 =	simm.s32 $0xC800;
	v3 =	vadd.s32 v1, v3  }
0x80: {  	[hbm4b:s5+s2] =	stream.indirect_vreg.scatter [tilespmem:s0], [sflag:$0x1], $0x80, v4, vm0, $0xb8;
	[tilespmem:$0x1C100] =	vst v63  }
0x81: {  	s0 =	simm.s32 $0xD000  }
0x82: {  	[hbm4b:s6+s2] =	stream.indirect_vreg.scatter [tilespmem:s0], [sflag:$0x1], $0x80, v4, vm0, $0xb8;
	[tilespmem:$0x1C100] =	vst v63  }
0x83: {  	s0 =	simm.s32 $0xD800  }
0x84: {  	[hbm4b:s3+s2] =	stream.indirect_vreg.scatter [tilespmem:s0], [sflag:$0x1], $0x80, v3, vm0, $0xb8;
	[tilespmem:$0x1C100] =	vst v63  }
0x85: {  	s0 =	simm.s32 $0xE000  }
0x86: {  	[hbm4b:s5+s2] =	stream.indirect_vreg.scatter [tilespmem:s0], [sflag:$0x1], $0x80, v3, vm0, $0xb8;
	[tilespmem:$0x1C100] =	vst v63  }
0x87: {  	s0 =	simm.s32 $0xE800  }
0x88: {  	[hbm4b:s6+s2] =	stream.indirect_vreg.scatter [tilespmem:s0], [sflag:$0x1], $0x80, v3, vm0, $0xb8;
	[tilespmem:$0x1C100] =	vst v63  }
0x89: {  	v3 =	vld [tilespmem:$0x1C050];
	_ =	sdelay $0x4  }
0x8a: {  	v55 =	vshrl.u32 v3, $0x3  }
0x8b: {  	v4 =	vmul.u32 $0x30, v55  }
0x8c: {  	v3 =	vand.u32 $0x7, v3  }
0x8d: {  	v3 =	vor.u32 v3, v4  }
0x8e: {  	v4 =	vperm.xlane v3, v0;
	_ =	sdelay $0x1  }
0x8f: {  	v4 =	vadd.s32 v1, v4;
	_ =	sdelay $0x3  }
0x90: {  	s0 =	simm.s32 $0xF000;
	v3 =	vperm.xlane v3, v2  }
0x91: {  	[hbm4b:s3+s2] =	stream.indirect_vreg.scatter [tilespmem:s0], [sflag:$0x1], $0x80, v4, vm0, $0xb8;
	[tilespmem:$0x1C100] =	vst v63  }
0x92: {  	v3 =	vadd.s32 v1, v3;
	s0 =	simm.s32 $0xF800  }
0x93: {  	[hbm4b:s5+s2] =	stream.indirect_vreg.scatter [tilespmem:s0], [sflag:$0x1], $0x80, v4, vm0, $0xb8;
	[tilespmem:$0x1C100] =	vst v63  }
0x94: {  	s0 =	simm.s32 $0x10000  }
0x95: {  	[hbm4b:s6+s2] =	stream.indirect_vreg.scatter [tilespmem:s0], [sflag:$0x1], $0x80, v4, vm0, $0xb8;
	[tilespmem:$0x1C100] =	vst v63  }
0x96: {  	s0 =	simm.s32 $0x10800  }
0x97: {  	[hbm4b:s3+s2] =	stream.indirect_vreg.scatter [tilespmem:s0], [sflag:$0x1], $0x80, v3, vm0, $0xb8;
	[tilespmem:$0x1C100] =	vst v63  }
0x98: {  	s0 =	simm.s32 $0x11000  }
0x99: {  	[hbm4b:s5+s2] =	stream.indirect_vreg.scatter [tilespmem:s0], [sflag:$0x1], $0x80, v3, vm0, $0xb8;
	[tilespmem:$0x1C100] =	vst v63  }
0x9a: {  	s0 =	simm.s32 $0x11800  }
0x9b: {  	[hbm4b:s6+s2] =	stream.indirect_vreg.scatter [tilespmem:s0], [sflag:$0x1], $0x80, v3, vm0, $0xb8;
	[tilespmem:$0x1C100] =	vst v63  }
0x9c: {  	v3 =	vld [tilespmem:$0x1C060];
	_ =	sdelay $0x4  }
0x9d: {  	v56 =	vshrl.u32 v3, $0x3  }
0x9e: {  	v4 =	vmul.u32 $0x30, v56  }
0x9f: {  	v3 =	vand.u32 $0x7, v3  }
0xa0: {  	v3 =	vor.u32 v3, v4  }
0xa1: {  	v4 =	vperm.xlane v3, v0;
	_ =	sdelay $0x1  }
0xa2: {  	v4 =	vadd.s32 v1, v4;
	_ =	sdelay $0x3  }
0xa3: {  	s0 =	simm.s32 $0x12000;
	v3 =	vperm.xlane v3, v2  }
0xa4: {  	[hbm4b:s3+s2] =	stream.indirect_vreg.scatter [tilespmem:s0], [sflag:$0x1], $0x80, v4, vm0, $0xb8;
	[tilespmem:$0x1C100] =	vst v63  }
0xa5: {  	v3 =	vadd.s32 v1, v3;
	s0 =	simm.s32 $0x12800  }
0xa6: {  	[hbm4b:s5+s2] =	stream.indirect_vreg.scatter [tilespmem:s0], [sflag:$0x1], $0x80, v4, vm0, $0xb8;
	[tilespmem:$0x1C100] =	vst v63  }
0xa7: {  	s0 =	simm.s32 $0x13000  }
0xa8: {  	[hbm4b:s6+s2] =	stream.indirect_vreg.scatter [tilespmem:s0], [sflag:$0x1], $0x80, v4, vm0, $0xb8;
	[tilespmem:$0x1C100] =	vst v63  }
0xa9: {  	s0 =	simm.s32 $0x13800  }
0xaa: {  	[hbm4b:s3+s2] =	stream.indirect_vreg.scatter [tilespmem:s0], [sflag:$0x1], $0x80, v3, vm0, $0xb8;
	[tilespmem:$0x1C100] =	vst v63  }
0xab: {  	s0 =	simm.s32 $0x14000  }
0xac: {  	[hbm4b:s5+s2] =	stream.indirect_vreg.scatter [tilespmem:s0], [sflag:$0x1], $0x80, v3, vm0, $0xb8;
	[tilespmem:$0x1C100] =	vst v63  }
0xad: {  	s0 =	simm.s32 $0x14800  }
0xae: {  	[hbm4b:s6+s2] =	stream.indirect_vreg.scatter [tilespmem:s0], [sflag:$0x1], $0x80, v3, vm0, $0xb8;
	[tilespmem:$0x1C100] =	vst v63  }
0xaf: {  	v3 =	vld [tilespmem:$0x1C080];
	_ =	sdelay $0x4  }
0xb0: {  	v57 =	vshrl.u32 v3, $0x3  }
0xb1: {  	v4 =	vmul.u32 $0x30, v57  }
0xb2: {  	v3 =	vand.u32 $0x7, v3  }
0xb3: {  	v3 =	vor.u32 v3, v4  }
0xb4: {  	v4 =	vperm.xlane v3, v0;
	_ =	sdelay $0x1  }
0xb5: {  	v4 =	vadd.s32 v1, v4;
	_ =	sdelay $0x3  }
0xb6: {  	v3 =	vperm.xlane v3, v2  }
0xb7: {  	[hbm4b:s3+s2] =	stream.indirect_vreg.scatter [tilespmem:s2], [sflag:$0x1], $0x80, v4, vm0, $0xb8;
	[tilespmem:$0x1C100] =	vst v63  }
0xb8: {  	s0 =	simm.s32 $0x800;
	v3 =	vadd.s32 v1, v3  }
0xb9: {  	[hbm4b:s5+s2] =	stream.indirect_vreg.scatter [tilespmem:s0], [sflag:$0x1], $0x80, v4, vm0, $0xb8;
	[tilespmem:$0x1C100] =	vst v63  }
0xba: {  	_ = 	snop  }
0xbb: {  	[hbm4b:s6+s2] =	stream.indirect_vreg.scatter [tilespmem:s13], [sflag:$0x1], $0x80, v4, vm0, $0xb8;
	[tilespmem:$0x1C100] =	vst v63  }
0xbc: {  	_ = 	snop  }
0xbd: {  	[hbm4b:s3+s2] =	stream.indirect_vreg.scatter [tilespmem:s14], [sflag:$0x1], $0x80, v3, vm0, $0xb8;
	[tilespmem:$0x1C100] =	vst v63  }
0xbe: {  	_ = 	snop  }
0xbf: {  	[hbm4b:s5+s2] =	stream.indirect_vreg.scatter [tilespmem:s15], [sflag:$0x1], $0x80, v3, vm0, $0xb8;
	[tilespmem:$0x1C100] =	vst v63  }
0xc0: {  	_ = 	snop  }
0xc1: {  	[hbm4b:s6+s2] =	stream.indirect_vreg.scatter [tilespmem:s16], [sflag:$0x1], $0x80, v3, vm0, $0xb8;
	[tilespmem:$0x1C100] =	vst v63  }
0xc2: {  	v3 =	vld [tilespmem:$0x1C090];
	_ =	sdelay $0x4  }
0xc3: {  	v58 =	vshrl.u32 v3, $0x3  }
0xc4: {  	v4 =	vmul.u32 $0x30, v58  }
0xc5: {  	v3 =	vand.u32 $0x7, v3  }
0xc6: {  	v3 =	vor.u32 v3, v4  }
0xc7: {  	v4 =	vperm.xlane v3, v0;
	_ =	sdelay $0x1  }
0xc8: {  	v4 =	vadd.s32 v1, v4;
	_ =	sdelay $0x3  }
0xc9: {  	v3 =	vperm.xlane v3, v2  }
0xca: {  	[hbm4b:s3+s2] =	stream.indirect_vreg.scatter [tilespmem:s17], [sflag:$0x1], $0x80, v4, vm0, $0xb8;
	[tilespmem:$0x1C100] =	vst v63  }
0xcb: {  	v3 =	vadd.s32 v1, v3  }
0xcc: {  	[hbm4b:s5+s2] =	stream.indirect_vreg.scatter [tilespmem:s18], [sflag:$0x1], $0x80, v4, vm0, $0xb8;
	[tilespmem:$0x1C100] =	vst v63  }
0xcd: {  	_ = 	snop  }
0xce: {  	[hbm4b:s6+s2] =	stream.indirect_vreg.scatter [tilespmem:s19], [sflag:$0x1], $0x80, v4, vm0, $0xb8;
	[tilespmem:$0x1C100] =	vst v63  }
0xcf: {  	_ = 	snop  }
0xd0: {  	[hbm4b:s3+s2] =	stream.indirect_vreg.scatter [tilespmem:s20], [sflag:$0x1], $0x80, v3, vm0, $0xb8;
	[tilespmem:$0x1C100] =	vst v63  }
0xd1: {  	_ = 	snop  }
0xd2: {  	[hbm4b:s5+s2] =	stream.indirect_vreg.scatter [tilespmem:s21], [sflag:$0x1], $0x80, v3, vm0, $0xb8;
	[tilespmem:$0x1C100] =	vst v63  }
0xd3: {  	_ = 	snop  }
0xd4: {  	[hbm4b:s6+s2] =	stream.indirect_vreg.scatter [tilespmem:s22], [sflag:$0x1], $0x80, v3, vm0, $0xb8;
	[tilespmem:$0x1C100] =	vst v63  }
0xd5: {  	v3 =	vld [tilespmem:$0x1C0A0];
	_ =	sdelay $0x4  }
0xd6: {  	v59 =	vshrl.u32 v3, $0x3  }
0xd7: {  	v4 =	vmul.u32 $0x30, v59  }
0xd8: {  	v3 =	vand.u32 $0x7, v3  }
0xd9: {  	v3 =	vor.u32 v3, v4  }
0xda: {  	v4 =	vperm.xlane v3, v0;
	_ =	sdelay $0x1  }
0xdb: {  	v4 =	vadd.s32 v1, v4;
	_ =	sdelay $0x3  }
0xdc: {  	v3 =	vperm.xlane v3, v2  }
0xdd: {  	[hbm4b:s3+s2] =	stream.indirect_vreg.scatter [tilespmem:s23], [sflag:$0x1], $0x80, v4, vm0, $0xb8;
	[tilespmem:$0x1C100] =	vst v63  }
0xde: {  	v3 =	vadd.s32 v1, v3  }
0xdf: {  	[hbm4b:s5+s2] =	stream.indirect_vreg.scatter [tilespmem:s24], [sflag:$0x1], $0x80, v4, vm0, $0xb8;
	[tilespmem:$0x1C100] =	vst v63  }
0xe0: {  	_ = 	snop  }
0xe1: {  	[hbm4b:s6+s2] =	stream.indirect_vreg.scatter [tilespmem:s25], [sflag:$0x1], $0x80, v4, vm0, $0xb8;
	[tilespmem:$0x1C100] =	vst v63  }
0xe2: {  	_ = 	snop  }
0xe3: {  	[hbm4b:s3+s2] =	stream.indirect_vreg.scatter [tilespmem:s26], [sflag:$0x1], $0x80, v3, vm0, $0xb8;
	[tilespmem:$0x1C100] =	vst v63  }
0xe4: {  	_ = 	snop  }
0xe5: {  	[hbm4b:s5+s2] =	stream.indirect_vreg.scatter [tilespmem:s28], [sflag:$0x1], $0x80, v3, vm0, $0xb8;
	[tilespmem:$0x1C100] =	vst v63  }
0xe6: {  	_ = 	snop  }
0xe7: {  	[hbm4b:s6+s2] =	stream.indirect_vreg.scatter [tilespmem:s29], [sflag:$0x1], $0x80, v3, vm0, $0xb8;
	[tilespmem:$0x1C100] =	vst v63  }
0xe8: {  	v3 =	vld [tilespmem:$0x1C0B0];
	_ =	sdelay $0x4  }
0xe9: {  	v60 =	vshrl.u32 v3, $0x3  }
0xea: {  	v4 =	vmul.u32 $0x30, v60  }
0xeb: {  	v3 =	vand.u32 $0x7, v3  }
0xec: {  	v3 =	vor.u32 v3, v4  }
0xed: {  	v4 =	vperm.xlane v3, v0;
	_ =	sdelay $0x1  }
0xee: {  	v4 =	vadd.s32 v1, v4;
	_ =	sdelay $0x3  }
0xef: {  	v3 =	vperm.xlane v3, v2  }
0xf0: {  	[hbm4b:s3+s2] =	stream.indirect_vreg.scatter [tilespmem:s30], [sflag:$0x1], $0x80, v4, vm0, $0xb8;
	[tilespmem:$0x1C100] =	vst v63  }
0xf1: {  	v3 =	vadd.s32 v1, v3  }
0xf2: {  	[hbm4b:s5+s2] =	stream.indirect_vreg.scatter [tilespmem:s31], [sflag:$0x1], $0x80, v4, vm0, $0xb8;
	[tilespmem:$0x1C100] =	vst v63  }
0xf3: {  	_ = 	snop  }
0xf4: {  	[hbm4b:s6+s2] =	stream.indirect_vreg.scatter [tilespmem:s4], [sflag:$0x1], $0x80, v4, vm0, $0xb8;
	[tilespmem:$0x1C100] =	vst v63  }
0xf5: {  	_ = 	snop  }
0xf6: {  	[hbm4b:s3+s2] =	stream.indirect_vreg.scatter [tilespmem:s9], [sflag:$0x1], $0x80, v3, vm0, $0xb8;
	[tilespmem:$0x1C100] =	vst v63  }
0xf7: {  	_ = 	snop  }
0xf8: {  	[hbm4b:s5+s2] =	stream.indirect_vreg.scatter [tilespmem:s10], [sflag:$0x1], $0x80, v3, vm0, $0xb8;
	[tilespmem:$0x1C100] =	vst v63  }
0xf9: {  	_ = 	snop  }
0xfa: {  	[hbm4b:s6+s2] =	stream.indirect_vreg.scatter [tilespmem:s11], [sflag:$0x1], $0x80, v3, vm0, $0xb8;
	[tilespmem:$0x1C100] =	vst v63  }
0xfb: {  	v3 =	vld [tilespmem:$0x1C0C0];
	_ =	sdelay $0x4  }
0xfc: {  	v61 =	vshrl.u32 v3, $0x3  }
0xfd: {  	v4 =	vmul.u32 $0x30, v61  }
0xfe: {  	v3 =	vand.u32 $0x7, v3  }
0xff: {  	v3 =	vor.u32 v3, v4  }
0x100: {  	v4 =	vperm.xlane v3, v0;
	_ =	sdelay $0x1  }
0x101: {  	v4 =	vadd.s32 v1, v4;
	_ =	sdelay $0x3  }
0x102: {  	v3 =	vperm.xlane v3, v2  }
0x103: {  	[hbm4b:s3+s2] =	stream.indirect_vreg.scatter [tilespmem:s12], [sflag:$0x1], $0x80, v4, vm0, $0xb8;
	[tilespmem:$0x1C100] =	vst v63  }
0x104: {  	s9 =	simm.s32 $0xC800;
	v3 =	vadd.s32 v1, v3  }
0x105: {  	[hbm4b:s5+s2] =	stream.indirect_vreg.scatter [tilespmem:s9], [sflag:$0x1], $0x80, v4, vm0, $0xb8;
	[tilespmem:$0x1C100] =	vst v63  }
0x106: {  	s10 =	simm.s32 $0xD000  }
0x107: {  	[hbm4b:s6+s2] =	stream.indirect_vreg.scatter [tilespmem:s10], [sflag:$0x1], $0x80, v4, vm0, $0xb8;
	[tilespmem:$0x1C100] =	vst v63  }
0x108: {  	s4 =	simm.s32 $0xD800  }
0x109: {  	[hbm4b:s3+s2] =	stream.indirect_vreg.scatter [tilespmem:s4], [sflag:$0x1], $0x80, v3, vm0, $0xb8;
	[tilespmem:$0x1C100] =	vst v63  }
0x10a: {  	s9 =	simm.s32 $0xE000  }
0x10b: {  	[hbm4b:s5+s2] =	stream.indirect_vreg.scatter [tilespmem:s9], [sflag:$0x1], $0x80, v3, vm0, $0xb8;
	[tilespmem:$0x1C100] =	vst v63  }
0x10c: {  	s10 =	simm.s32 $0xE800  }
0x10d: {  	[hbm4b:s6+s2] =	stream.indirect_vreg.scatter [tilespmem:s10], [sflag:$0x1], $0x80, v3, vm0, $0xb8;
	[tilespmem:$0x1C100] =	vst v63  }
0x10e: {  	v3 =	vld [tilespmem:$0x1C0D0];
	_ =	sdelay $0x4  }
0x10f: {  	v62 =	vshrl.u32 v3, $0x3  }
0x110: {  	v4 =	vmul.u32 $0x30, v62  }
0x111: {  	v3 =	vand.u32 $0x7, v3  }
0x112: {  	v3 =	vor.u32 v3, v4  }
0x113: {  	v4 =	vperm.xlane v3, v0;
	_ =	sdelay $0x1  }
0x114: {  	v4 =	vadd.s32 v1, v4;
	_ =	sdelay $0x3  }
0x115: {  	s4 =	simm.s32 $0xF000;
	v3 =	vperm.xlane v3, v2  }
0x116: {  	[hbm4b:s3+s2] =	stream.indirect_vreg.scatter [tilespmem:s4], [sflag:$0x1], $0x80, v4, vm0, $0xb8;
	[tilespmem:$0x1C100] =	vst v63  }
0x117: {  	s9 =	simm.s32 $0xF800;
	v3 =	vadd.s32 v1, v3  }
0x118: {  	[hbm4b:s5+s2] =	stream.indirect_vreg.scatter [tilespmem:s9], [sflag:$0x1], $0x80, v4, vm0, $0xb8;
	[tilespmem:$0x1C100] =	vst v63  }
0x119: {  	s10 =	simm.s32 $0x10000  }
0x11a: {  	[hbm4b:s6+s2] =	stream.indirect_vreg.scatter [tilespmem:s10], [sflag:$0x1], $0x80, v4, vm0, $0xb8;
	[tilespmem:$0x1C100] =	vst v63  }
0x11b: {  	s4 =	simm.s32 $0x10800  }
0x11c: {  	[hbm4b:s3+s2] =	stream.indirect_vreg.scatter [tilespmem:s4], [sflag:$0x1], $0x80, v3, vm0, $0xb8;
	[tilespmem:$0x1C100] =	vst v63  }
0x11d: {  	s9 =	simm.s32 $0x11000  }
0x11e: {  	[hbm4b:s5+s2] =	stream.indirect_vreg.scatter [tilespmem:s9], [sflag:$0x1], $0x80, v3, vm0, $0xb8;
	[tilespmem:$0x1C100] =	vst v63  }
0x11f: {  	s10 =	simm.s32 $0x11800  }
0x120: {  	[hbm4b:s6+s2] =	stream.indirect_vreg.scatter [tilespmem:s10], [sflag:$0x1], $0x80, v3, vm0, $0xb8;
	[tilespmem:$0x1C100] =	vst v63  }
0x121: {  	v3 =	vld [tilespmem:$0x1C0E0];
	_ =	sdelay $0x4  }
0x122: {  	v63 =	vshrl.u32 v3, $0x3  }
0x123: {  	v4 =	vmul.u32 $0x30, v63  }
0x124: {  	v3 =	vand.u32 $0x7, v3  }
0x125: {  	v3 =	vor.u32 v3, v4  }
0x126: {  	v4 =	vperm.xlane v3, v0;
	_ =	sdelay $0x1  }
0x127: {  	v4 =	vadd.s32 v1, v4;
	_ =	sdelay $0x3  }
0x128: {  	s4 =	simm.s32 $0x12000;
	v3 =	vperm.xlane v3, v2  }
0x129: {  	[hbm4b:s3+s2] =	stream.indirect_vreg.scatter [tilespmem:s4], [sflag:$0x1], $0x80, v4, vm0, $0xb8;
	[tilespmem:$0x1C100] =	vst v63  }
0x12a: {  	s9 =	simm.s32 $0x12800;
	v3 =	vadd.s32 v1, v3  }
0x12b: {  	[hbm4b:s5+s2] =	stream.indirect_vreg.scatter [tilespmem:s9], [sflag:$0x1], $0x80, v4, vm0, $0xb8;
	[tilespmem:$0x1C100] =	vst v63  }
0x12c: {  	s10 =	simm.s32 $0x13000  }
0x12d: {  	[hbm4b:s6+s2] =	stream.indirect_vreg.scatter [tilespmem:s10], [sflag:$0x1], $0x80, v4, vm0, $0xb8;
	[tilespmem:$0x1C100] =	vst v63  }
0x12e: {  	s4 =	simm.s32 $0x13800  }
0x12f: {  	[hbm4b:s3+s2] =	stream.indirect_vreg.scatter [tilespmem:s4], [sflag:$0x1], $0x80, v3, vm0, $0xb8;
	[tilespmem:$0x1C100] =	vst v63  }
0x130: {  	s9 =	simm.s32 $0x14000  }
0x131: {  	[hbm4b:s5+s2] =	stream.indirect_vreg.scatter [tilespmem:s9], [sflag:$0x1], $0x80, v3, vm0, $0xb8;
	[tilespmem:$0x1C100] =	vst v63  }
0x132: {  	s0 =	rddreg [dreg:$0x8];
	s10 =	simm.s32 $0x14800  }
0x133: {  	[hbm4b:s6+s2] =	stream.indirect_vreg.scatter [tilespmem:s10], [sflag:$0x1], $0x80, v3, vm0, $0xb8;
	[tilespmem:$0x1C100] =	vst v63  }
0x134: {  	s4 =	simm.s32 $0x70;
	s9 =	simm.s32 $0x15000;
	s10 =	simm.s32 $0x1C000  }
0x135: {  	[hbm4b:s0+s4] =	stream.indirect.scatter [tilespmem:s9], [sflag:$0x1], $0x80, s10, s4, $0xb8;
	[tilespmem:$0x1C100] =	vst v63  }
0x136: {  	s9 =	simm.s32 $0x18800;
	s10 =	simm.s32 $0x1C080  }
0x137: {  	[hbm4b:s0+s4] =	stream.indirect.scatter [tilespmem:s9], [sflag:$0x1], $0x80, s10, s4, $0xb8;
	[tilespmem:$0x1C100] =	vst v63  }
0x138: {  	_ =	swait.ge [sflag:s1], $0x15000  }
0x139: {  	[sflag:s1] =	ssyncset.done $0x0  }
0x13a: {  	[sflag:s1] =	ssyncadd.s32 $0xFFFEB000  }
0x13b: {  	_ =	swait.ge [sflag:s1], $0x15000  }
0x13c: {  	[sflag:s1] =	ssyncset.done $0x0  }
0x13d: {  	[sflag:s1] =	ssyncadd.s32 $0xFFFEB000  }
0x13e: {  	p0 =	sne.s32 s7, $0x1;
	_ =	swait.ge [sflag:s1], $0x3800  }
.Ltmp0:
0x13f: {  	[sflag:s1] =	ssyncset.done $0x0;
	(pc) =	sbr.rel @p0 .LBB2_1-.Ltmp0, $4  }
0x140: {  	[sflag:s1] =	ssyncadd.s32 $0xFFFFC800  }
0x141: {  	_ =	swait.ge [sflag:s1], $0x3800  }
0x142: {  	[sflag:s1] =	ssyncset.done $0x0  }
0x143: {  	s7 =	sadd.s32 $0xFFFFFFFF, s7;
	[sflag:s1] =	ssyncadd.s32 $0xFFFFC800  }
0x144: {  	_ =	sfence.sel $0x180000  }
0x145: {  	[bflag:$0x0] =	sbarrier.arrive $0xFFFF  }
0x146: {  	_ =	strace $0x90000047  }
0x147: {  	s0 =	stileid.u32;
	[bflag:$0x2] =	sbarrier.arrive $0xFFFF  }
0x148: {  	p0 =	sne.s32 s0, $0x0;
	s0 =	rddreg [dreg:$0x2]  }
0x149: {  	s0 =	sadd.s32 @!p0 $0x100000, s0  }
0x14a: {  	[sflag:s0] =	ssyncadd.tile.s32 @!p0 $0x1;
	_ =	shalt  }
.Lfunc_end2:
_tile_overlayer_lowered:
.L_overlay_start_2:
0x14b: {  	(tag) =	ssettag $0x2  }
0x14c: {  	s0 =	rddreg [dreg:$0x0];
	s2 =	stileid.u32  }
0x14d: {  	s1 =	rddreg [dreg:$0x1];
	p0 =	sne.s32 s2, $0x0  }
0x14e: {  	s3 =	rddreg [dreg:$0x2];
	[bflag:$0x3] =	sbarrier.arrive $0xFFFF;
	s2 =	simm.s32 @!p0 $0x1C02  }
0x14f: {  	[timem:s3], [sflag:s2] =	dma.local @!p0 [hbm:s0], s1  }
0x150: {  	s0 =	simm.s32 @!p0 $0x2  }
0x151: {  	_ =	swait.ge @!p0 [sflag:s0], s1  }
0x152: {  	s1 =	ssub.s32 @!p0 $0x0, s1;
	[sflag:s0] =	ssyncset.done @!p0 $0x0  }
0x153: {  	[sflag:s0] =	ssyncadd.s32 @!p0 s1  }
0x154: {  	[bflag:$0x3] =	sbarrier.arrive $0xFFFF  }
0x155: {  	_ =	shalt  }

</sc_bundles>
